<compile_context>
chip_gen: v7x
topology: tpu7x:2x2x1
jax: 0.10.2.dev20260603
libtpu: 0.0.44.dev20260713+nightly
codegen_flags: <defaults>
</compile_context>

<pallas_src>
import functools

import jax
import jax.numpy as jnp
from jax import lax
from jax.experimental import pallas as pl
from jax.experimental.pallas import tpu as pltpu
from jax.experimental.pallas import tpu_sc as plsc

TOPK = 8
N_TOKENS = 32768
D_MODEL = 4096
N_EXPERTS = 64
BT = 1024

NCHUNK = 2
CT = N_TOKENS // NCHUNK
NW = 32
TPW = CT // NW


def _tc_body(x_ref, w_ref, probs_ref, logits_ref):
    x = x_ref[...]
    w = w_ref[...]
    logits = lax.dot_general(x, w, (((1,), (1,)), ((), ())),
                             preferred_element_type=jnp.float32)
    logits_ref[...] = logits
    lt = logits.T
    m = jnp.max(lt, axis=0, keepdims=True)
    et = jnp.exp(lt - m)
    s = jnp.sum(et, axis=0, keepdims=True)
    probs_ref[...] = (et / s).T


def _tc_chunk(x, W, c):
    nb = CT // BT
    return pl.pallas_call(
        _tc_body,
        grid=(nb,),
        in_specs=[
            pl.BlockSpec((BT, D_MODEL), lambda i, c=c: (i + c * nb, 0)),
            pl.BlockSpec((N_EXPERTS, D_MODEL), lambda i: (0, 0)),
        ],
        out_specs=(
            pl.BlockSpec((BT, N_EXPERTS), lambda i: (i, 0)),
            pl.BlockSpec((BT, N_EXPERTS), lambda i: (i, 0)),
        ),
        out_shape=(
            jax.ShapeDtypeStruct((CT, N_EXPERTS), jnp.float32),
            jax.ShapeDtypeStruct((CT, N_EXPERTS), jnp.float32),
        ),
    )(x, W)


def _merge(a, pa, b, pb):
    rb = lax.rev(b, (0,))
    rpb = lax.rev(pb, (0,))
    take = a >= rb
    m = jnp.where(take, a, rb)
    pm = jnp.where(take, pa, rpb)
    return plsc.sort_key_val(m, pm, descending=True)


@functools.partial(
    pl.kernel,
    mesh=plsc.VectorSubcoreMesh(core_axis_name="c", subcore_axis_name="s"),
    compiler_params=pltpu.CompilerParams(needs_layout_passes=False),
    out_type=(
        jax.ShapeDtypeStruct((CT * 16,), jnp.int32),
        jax.ShapeDtypeStruct((CT * 16,), jnp.float32),
    ),
    scratch_types=[
        pltpu.VMEM((TPW * N_EXPERTS,), jnp.float32),
        pltpu.VMEM((TPW * 16,), jnp.int32),
        pltpu.VMEM((TPW * 16,), jnp.float32),
        pltpu.SemaphoreType.DMA,
    ],
)
def _sc_topk(probs_hbm, idx_hbm, gate_hbm, pv, iv, gv, sem):
    wid = lax.axis_index("s") * 2 + lax.axis_index("c")
    base = wid * TPW
    pltpu.async_copy(probs_hbm.at[pl.ds(base * N_EXPERTS, TPW * N_EXPERTS)],
                     pv, sem).wait()

    lanes = lax.iota(jnp.int32, 16)
    first8 = lanes < TOPK
    pays = [lanes + 16 * j for j in range(4)]

    def one_token(t):
        sv = []
        for j in range(4):
            v = pv[pl.ds(t * N_EXPERTS + 16 * j, 16)]
            sv.append(plsc.sort_key_val(v, pays[j], descending=True))
        s01, p01 = _merge(sv[0][0], sv[0][1], sv[1][0], sv[1][1])
        s23, p23 = _merge(sv[2][0], sv[2][1], sv[3][0], sv[3][1])
        sf, pf = _merge(s01, p01, s23, p23)
        ssum = jnp.sum(jnp.where(first8, sf, 0.0))
        g16 = sf / lax.broadcast_in_dim(ssum, (16,), ())
        iv[pl.ds(t * 16, 16)] = pf
        gv[pl.ds(t * 16, 16)] = g16

    def body(i, carry):
        t0 = i * 4
        one_token(t0)
        one_token(t0 + 1)
        one_token(t0 + 2)
        one_token(t0 + 3)
        return carry

    lax.fori_loop(0, TPW // 4, body, 0)

    pltpu.sync_copy(iv, idx_hbm.at[pl.ds(base * 16, TPW * 16)])
    pltpu.sync_copy(gv, gate_hbm.at[pl.ds(base * 16, TPW * 16)])


@jax.jit
def kernel(x, W):
    ps, ls, iws, gws = [], [], [], []
    for c in range(NCHUNK):
        p, l = _tc_chunk(x, W, c)
        ps.append(p)
        ls.append(l)
    for c in range(NCHUNK):
        wi, wg = _sc_topk(ps[c].reshape(-1))
        iws.append(wi.reshape(CT, 16)[:, :TOPK])
        gws.append(wg.reshape(CT, 16)[:, :TOPK])
    probs = jnp.concatenate(ps, axis=0)
    logits = jnp.concatenate(ls, axis=0)
    topk_idx = jnp.concatenate(iws, axis=0)
    gate = jnp.concatenate(gws, axis=0)
    return (topk_idx, probs, gate, logits)

# --- scband reference (transcript-rebuilt; emitter-appended) ---
"""Pipeline reference for scband-learned-router-84765474554513 (READ-ONLY COPY).

The authoritative reference and input builder live on the scoring server;
editing this copy changes nothing except your own understanding.
"""

import jax, jax.numpy as jnp
import numpy as np

TOP_K = 8
NULL_BIAS = 0.0
N_TOKENS = 32768
D_MODEL = 4096
N_EXPERTS = 64


def setup_inputs(seed: int = 0) -> dict:
    key = jax.random.key(seed)
    k1, k2 = jax.random.split(key)
    x = jax.random.normal(k1, (N_TOKENS, D_MODEL), dtype=jnp.float32)
    # nn.Linear(input_dim, num_experts, bias=False) -> weight shape [num_experts, input_dim]
    W = jax.random.normal(k2, (N_EXPERTS, D_MODEL), dtype=jnp.float32) * (1.0 / np.sqrt(D_MODEL))
    return {"x": x, "W": W}


def reference(x, W):
    logits = x @ W.T
    probs = jax.nn.softmax(logits, axis=-1)
    gate, topk_idx = jax.lax.top_k(probs, TOP_K)
    gate = gate / (jnp.sum(gate, axis=-1, keepdims=True) + NULL_BIAS)
    return (topk_idx, probs, gate, logits)

if __name__ == "__main__":
    import jax
    _d = setup_inputs()
    print(jax.jit(kernel)(*tuple(_d.values())))

</pallas_src>

<mosaic_0001>
#map = affine_map<(d0, d1) -> (0)>
module attributes {stable_mosaic.version = 14 : i64} {
  func.func @_sc_topk(%arg0: i32, %arg1: i32, %arg2: memref<1048576xf32, #tpu.memory_space<hbm>>, %arg3: memref<262144xi32, #tpu.memory_space<hbm>>, %arg4: memref<262144xf32, #tpu.memory_space<hbm>>, %arg5: memref<32768xf32, #tpu.memory_space<vmem>>, %arg6: memref<8192xi32, #tpu.memory_space<vmem>>, %arg7: memref<8192xf32, #tpu.memory_space<vmem>>, %arg8: memref<!tpu.dma_semaphore, #tpu.memory_space<semaphore_mem>>) attributes {dimension_semantics = [#tpu.dimension_semantics<core_parallel>, #tpu.dimension_semantics<subcore_parallel>], iteration_bounds = array<i64: 2, 16>, scalar_prefetch = 0 : i64, scratch_operands = 4 : i64, tpu.core_type = #tpu.core_type<sc_vector_subcore>, window_params = [{transform_indices = #map}, {transform_indices = #map}, {transform_indices = #map}]} {
    %mul3A = arith.constant 2 : i32
    %mul3A_0 = arith.muli %arg1, %mul3A : i32
    %add3A = arith.addi %mul3A_0, %arg0 : i32
    %mul3A_1 = arith.constant 512 : i32
    %mul3A_2 = arith.muli %add3A, %mul3A_1 : i32
    %mul3A_3 = arith.constant 64 : i32
    %mul3A_4 = arith.muli %mul3A_2, %mul3A_3 : i32
    %dma_start3A = tpu.memref_slice %arg2[%mul3A_4] : memref<1048576xf32, #tpu.memory_space<hbm>> -> memref<32768xf32, #tpu.memory_space<hbm>>
    %dma_start3A_5 = tpu.memref_slice %arg2[%mul3A_4] : memref<1048576xf32, #tpu.memory_space<hbm>> -> memref<32768xf32, #tpu.memory_space<hbm>>
    tpu.enqueue_dma source(%dma_start3A_5 : memref<32768xf32, #tpu.memory_space<hbm>>) target(%arg5 : memref<32768xf32, #tpu.memory_space<vmem>>) target_semaphore(%arg8 : memref<!tpu.dma_semaphore, #tpu.memory_space<semaphore_mem>>)
    %dma_wait3A = tpu.memref_slice %arg2[%mul3A_4] : memref<1048576xf32, #tpu.memory_space<hbm>> -> memref<32768xf32, #tpu.memory_space<hbm>>
    %dma_wait3A_6 = tpu.memref_slice %arg2[%mul3A_4] : memref<1048576xf32, #tpu.memory_space<hbm>> -> memref<32768xf32, #tpu.memory_space<hbm>>
    tpu.wait_dma2 semaphore(%arg8 : memref<!tpu.dma_semaphore, #tpu.memory_space<semaphore_mem>>) src(%dma_wait3A_6 : memref<32768xf32, #tpu.memory_space<hbm>>) dst(%arg5 : memref<32768xf32, #tpu.memory_space<vmem>>)
    %iota3A = tpu.iota {dimensions = array<i32: 0>} : vector<16xi32>
    %lt3A = arith.constant 8 : i32
    %lt3A_7 = vector.broadcast %lt3A : i32 to vector<16xi32>
    %lt3A_8 = arith.cmpi slt, %iota3A, %lt3A_7 : vector<16xi32>
    %add3A_9 = arith.constant 0 : i32
    %add3A_10 = vector.broadcast %add3A_9 : i32 to vector<16xi32>
    %add3A_11 = arith.addi %iota3A, %add3A_10 : vector<16xi32>
    %add3A_12 = arith.constant 16 : i32
    %add3A_13 = vector.broadcast %add3A_12 : i32 to vector<16xi32>
    %add3A_14 = arith.addi %iota3A, %add3A_13 : vector<16xi32>
    %add3A_15 = arith.constant 32 : i32
    %add3A_16 = vector.broadcast %add3A_15 : i32 to vector<16xi32>
    %add3A_17 = arith.addi %iota3A, %add3A_16 : vector<16xi32>
    %add3A_18 = arith.constant 48 : i32
    %add3A_19 = vector.broadcast %add3A_18 : i32 to vector<16xi32>
    %add3A_20 = arith.addi %iota3A, %add3A_19 : vector<16xi32>
    %scan3A = arith.constant 0 : i32
    %scan3A_21 = arith.constant 0 : i32
    %scan3A_22 = arith.constant 128 : i32
    %scan3A_23 = arith.addi %scan3A_21, %scan3A_22 : i32
    %scan3A_24 = arith.constant 1 : i32
    scf.for %scan3A_30 = %scan3A_21 to %scan3A_23 step %scan3A_24  : i32 {
      %mul3A_31 = arith.constant 4 : i32
      %mul3A_32 = arith.muli %scan3A_30, %mul3A_31 : i32
      %mul3A_33 = arith.constant 64 : i32
      %mul3A_34 = arith.muli %mul3A_32, %mul3A_33 : i32
      %add3A_35 = arith.constant 0 : i32
      %add3A_36 = arith.addi %mul3A_34, %add3A_35 : i32
      %get3A = arith.index_cast %add3A_36 : i32 to index
      %get3A_37 = tpu.vector_load %arg5[%get3A] {strides = array<i32>} : memref<32768xf32, #tpu.memory_space<vmem>>, vector<16xf32>,
      %masked_sort3A = arith.constant dense<true> : vector<16xi1>
      %masked_sort3A_38, %masked_sort3A_39, %masked_sort3A_40 = tpu.sort %get3A_37, %add3A_11 masked %masked_sort3A {descending = true} : (vector<16xf32>, vector<16xi32>, vector<16xi1>) -> (vector<16xi1>, vector<16xf32>, vector<16xi32>)
      %mul3A_41 = arith.constant 64 : i32
      %mul3A_42 = arith.muli %mul3A_32, %mul3A_41 : i32
      %add3A_43 = arith.constant 16 : i32
      %add3A_44 = arith.addi %mul3A_42, %add3A_43 : i32
      %get3A_45 = arith.index_cast %add3A_44 : i32 to index
      %get3A_46 = tpu.vector_load %arg5[%get3A_45] {strides = array<i32>} : memref<32768xf32, #tpu.memory_space<vmem>>, vector<16xf32>,
      %masked_sort3A_47 = arith.constant dense<true> : vector<16xi1>
      %masked_sort3A_48, %masked_sort3A_49, %masked_sort3A_50 = tpu.sort %get3A_46, %add3A_14 masked %masked_sort3A_47 {descending = true} : (vector<16xf32>, vector<16xi32>, vector<16xi1>) -> (vector<16xi1>, vector<16xf32>, vector<16xi32>)
      %mul3A_51 = arith.constant 64 : i32
      %mul3A_52 = arith.muli %mul3A_32, %mul3A_51 : i32
      %add3A_53 = arith.constant 32 : i32
      %add3A_54 = arith.addi %mul3A_52, %add3A_53 : i32
      %get3A_55 = arith.index_cast %add3A_54 : i32 to index
      %get3A_56 = tpu.vector_load %arg5[%get3A_55] {strides = array<i32>} : memref<32768xf32, #tpu.memory_space<vmem>>, vector<16xf32>,
      %masked_sort3A_57 = arith.constant dense<true> : vector<16xi1>
      %masked_sort3A_58, %masked_sort3A_59, %masked_sort3A_60 = tpu.sort %get3A_56, %add3A_17 masked %masked_sort3A_57 {descending = true} : (vector<16xf32>, vector<16xi32>, vector<16xi1>) -> (vector<16xi1>, vector<16xf32>, vector<16xi32>)
      %mul3A_61 = arith.constant 64 : i32
      %mul3A_62 = arith.muli %mul3A_32, %mul3A_61 : i32
      %add3A_63 = arith.constant 48 : i32
      %add3A_64 = arith.addi %mul3A_62, %add3A_63 : i32
      %get3A_65 = arith.index_cast %add3A_64 : i32 to index
      %get3A_66 = tpu.vector_load %arg5[%get3A_65] {strides = array<i32>} : memref<32768xf32, #tpu.memory_space<vmem>>, vector<16xf32>,
      %masked_sort3A_67 = arith.constant dense<true> : vector<16xi1>
      %masked_sort3A_68, %masked_sort3A_69, %masked_sort3A_70 = tpu.sort %get3A_66, %add3A_20 masked %masked_sort3A_67 {descending = true} : (vector<16xf32>, vector<16xi32>, vector<16xi1>) -> (vector<16xi1>, vector<16xf32>, vector<16xi32>)
      %rev3A = arith.constant 15 : i32
      %rev3A_71 = vector.broadcast %rev3A : i32 to vector<16xi32>
      %rev3A_72 = tpu.iota {dimensions = array<i32: 0>} : vector<16xi32>
      %rev3A_73 = arith.subi %rev3A_71, %rev3A_72 : vector<16xi32>
      %rev3A_74 = tpu.dynamic_gather %masked_sort3A_49[%rev3A_73] in [0] : vector<16xf32>, vector<16xi32> -> vector<16xf32>
      %rev3A_75 = arith.constant 15 : i32
      %rev3A_76 = vector.broadcast %rev3A_75 : i32 to vector<16xi32>
      %rev3A_77 = tpu.iota {dimensions = array<i32: 0>} : vector<16xi32>
      %rev3A_78 = arith.subi %rev3A_76, %rev3A_77 : vector<16xi32>
      %rev3A_79 = tpu.dynamic_gather %masked_sort3A_50[%rev3A_78] in [0] : vector<16xi32>, vector<16xi32> -> vector<16xi32>
      %ge3A = arith.cmpf oge, %masked_sort3A_39, %rev3A_74 : vector<16xf32>
      %select_n3A = arith.select %ge3A, %masked_sort3A_39, %rev3A_74 : vector<16xi1>, vector<16xf32>
      %select_n3A_80 = arith.select %ge3A, %masked_sort3A_40, %rev3A_79 : vector<16xi1>, vector<16xi32>
      %masked_sort3A_81 = arith.constant dense<true> : vector<16xi1>
      %masked_sort3A_82, %masked_sort3A_83, %masked_sort3A_84 = tpu.sort %select_n3A, %select_n3A_80 masked %masked_sort3A_81 {descending = true} : (vector<16xf32>, vector<16xi32>, vector<16xi1>) -> (vector<16xi1>, vector<16xf32>, vector<16xi32>)
      %rev3A_85 = arith.constant 15 : i32
      %rev3A_86 = vector.broadcast %rev3A_85 : i32 to vector<16xi32>
      %rev3A_87 = tpu.iota {dimensions = array<i32: 0>} : vector<16xi32>
      %rev3A_88 = arith.subi %rev3A_86, %rev3A_87 : vector<16xi32>
      %rev3A_89 = tpu.dynamic_gather %masked_sort3A_69[%rev3A_88] in [0] : vector<16xf32>, vector<16xi32> -> vector<16xf32>
      %rev3A_90 = arith.constant 15 : i32
      %rev3A_91 = vector.broadcast %rev3A_90 : i32 to vector<16xi32>
      %rev3A_92 = tpu.iota {dimensions = array<i32: 0>} : vector<16xi32>
      %rev3A_93 = arith.subi %rev3A_91, %rev3A_92 : vector<16xi32>
      %rev3A_94 = tpu.dynamic_gather %masked_sort3A_70[%rev3A_93] in [0] : vector<16xi32>, vector<16xi32> -> vector<16xi32>
      %ge3A_95 = arith.cmpf oge, %masked_sort3A_59, %rev3A_89 : vector<16xf32>
      %select_n3A_96 = arith.select %ge3A_95, %masked_sort3A_59, %rev3A_89 : vector<16xi1>, vector<16xf32>
      %select_n3A_97 = arith.select %ge3A_95, %masked_sort3A_60, %rev3A_94 : vector<16xi1>, vector<16xi32>
      %masked_sort3A_98 = arith.constant dense<true> : vector<16xi1>
      %masked_sort3A_99, %masked_sort3A_100, %masked_sort3A_101 = tpu.sort %select_n3A_96, %select_n3A_97 masked %masked_sort3A_98 {descending = true} : (vector<16xf32>, vector<16xi32>, vector<16xi1>) -> (vector<16xi1>, vector<16xf32>, vector<16xi32>)
      %rev3A_102 = arith.constant 15 : i32
      %rev3A_103 = vector.broadcast %rev3A_102 : i32 to vector<16xi32>
      %rev3A_104 = tpu.iota {dimensions = array<i32: 0>} : vector<16xi32>
      %rev3A_105 = arith.subi %rev3A_103, %rev3A_104 : vector<16xi32>
      %rev3A_106 = tpu.dynamic_gather %masked_sort3A_100[%rev3A_105] in [0] : vector<16xf32>, vector<16xi32> -> vector<16xf32>
      %rev3A_107 = arith.constant 15 : i32
      %rev3A_108 = vector.broadcast %rev3A_107 : i32 to vector<16xi32>
      %rev3A_109 = tpu.iota {dimensions = array<i32: 0>} : vector<16xi32>
      %rev3A_110 = arith.subi %rev3A_108, %rev3A_109 : vector<16xi32>
      %rev3A_111 = tpu.dynamic_gather %masked_sort3A_101[%rev3A_110] in [0] : vector<16xi32>, vector<16xi32> -> vector<16xi32>
      %ge3A_112 = arith.cmpf oge, %masked_sort3A_83, %rev3A_106 : vector<16xf32>
      %select_n3A_113 = arith.select %ge3A_112, %masked_sort3A_83, %rev3A_106 : vector<16xi1>, vector<16xf32>
      %select_n3A_114 = arith.select %ge3A_112, %masked_sort3A_84, %rev3A_111 : vector<16xi1>, vector<16xi32>
      %masked_sort3A_115 = arith.constant dense<true> : vector<16xi1>
      %masked_sort3A_116, %masked_sort3A_117, %masked_sort3A_118 = tpu.sort %select_n3A_113, %select_n3A_114 masked %masked_sort3A_115 {descending = true} : (vector<16xf32>, vector<16xi32>, vector<16xi1>) -> (vector<16xi1>, vector<16xf32>, vector<16xi32>)
      %jit3A = arith.constant 0.000000e+00 : f32
      %broadcast_in_dim3A = vector.broadcast %jit3A : f32 to vector<16xf32>
      %select_n3A_119 = arith.select %lt3A_8, %masked_sort3A_117, %broadcast_in_dim3A : vector<16xi1>, vector<16xf32>
      %reduce_sum3A = arith.constant true
      %reduce_sum3A_120 = vector.broadcast %reduce_sum3A : i1 to vector<16xi1>
      %reduce_sum3A_121 = tpu.scan <sum>, %select_n3A_119 masked %reduce_sum3A_120 : vector<16xf32>, vector<16xi1> -> vector<16xf32>
      %reduce_sum3A_122 = vector.extract %reduce_sum3A_121[15] : f32 from vector<16xf32>
      %broadcast_in_dim3A_123 = vector.broadcast %reduce_sum3A_122 : f32 to vector<16xf32>
      %div3A = arith.divf %masked_sort3A_117, %broadcast_in_dim3A_123 : vector<16xf32>
      %mul3A_124 = arith.constant 16 : i32
      %mul3A_125 = arith.muli %mul3A_32, %mul3A_124 : i32
      %swap3A = arith.index_cast %mul3A_125 : i32 to index
      %swap3A_126 = tpu.vector_load %arg6[%swap3A] {strides = array<i32>} : memref<8192xi32, #tpu.memory_space<vmem>>, vector<16xi32>,
      tpu.vector_store %arg6[%swap3A], %masked_sort3A_118 {strides = array<i32>} : memref<8192xi32, #tpu.memory_space<vmem>>, vector<16xi32>,
      %mul3A_127 = arith.constant 16 : i32
      %mul3A_128 = arith.muli %mul3A_32, %mul3A_127 : i32
      %swap3A_129 = arith.index_cast %mul3A_128 : i32 to index
      %swap3A_130 = tpu.vector_load %arg7[%swap3A_129] {strides = array<i32>} : memref<8192xf32, #tpu.memory_space<vmem>>, vector<16xf32>,
      tpu.vector_store %arg7[%swap3A_129], %div3A {strides = array<i32>} : memref<8192xf32, #tpu.memory_space<vmem>>, vector<16xf32>,
      %add3A_131 = arith.constant 1 : i32
      %add3A_132 = arith.addi %mul3A_32, %add3A_131 : i32
      %mul3A_133 = arith.constant 64 : i32
      %mul3A_134 = arith.muli %add3A_132, %mul3A_133 : i32
      %add3A_135 = arith.constant 0 : i32
      %add3A_136 = arith.addi %mul3A_134, %add3A_135 : i32
      %get3A_137 = arith.index_cast %add3A_136 : i32 to index
      %get3A_138 = tpu.vector_load %arg5[%get3A_137] {strides = array<i32>} : memref<32768xf32, #tpu.memory_space<vmem>>, vector<16xf32>,
      %masked_sort3A_139 = arith.constant dense<true> : vector<16xi1>
      %masked_sort3A_140, %masked_sort3A_141, %masked_sort3A_142 = tpu.sort %get3A_138, %add3A_11 masked %masked_sort3A_139 {descending = true} : (vector<16xf32>, vector<16xi32>, vector<16xi1>) -> (vector<16xi1>, vector<16xf32>, vector<16xi32>)
      %mul3A_143 = arith.constant 64 : i32
      %mul3A_144 = arith.muli %add3A_132, %mul3A_143 : i32
      %add3A_145 = arith.constant 16 : i32
      %add3A_146 = arith.addi %mul3A_144, %add3A_145 : i32
      %get3A_147 = arith.index_cast %add3A_146 : i32 to index
      %get3A_148 = tpu.vector_load %arg5[%get3A_147] {strides = array<i32>} : memref<32768xf32, #tpu.memory_space<vmem>>, vector<16xf32>,
      %masked_sort3A_149 = arith.constant dense<true> : vector<16xi1>
      %masked_sort3A_150, %masked_sort3A_151, %masked_sort3A_152 = tpu.sort %get3A_148, %add3A_14 masked %masked_sort3A_149 {descending = true} : (vector<16xf32>, vector<16xi32>, vector<16xi1>) -> (vector<16xi1>, vector<16xf32>, vector<16xi32>)
      %mul3A_153 = arith.constant 64 : i32
      %mul3A_154 = arith.muli %add3A_132, %mul3A_153 : i32
      %add3A_155 = arith.constant 32 : i32
      %add3A_156 = arith.addi %mul3A_154, %add3A_155 : i32
      %get3A_157 = arith.index_cast %add3A_156 : i32 to index
      %get3A_158 = tpu.vector_load %arg5[%get3A_157] {strides = array<i32>} : memref<32768xf32, #tpu.memory_space<vmem>>, vector<16xf32>,
      %masked_sort3A_159 = arith.constant dense<true> : vector<16xi1>
      %masked_sort3A_160, %masked_sort3A_161, %masked_sort3A_162 = tpu.sort %get3A_158, %add3A_17 masked %masked_sort3A_159 {descending = true} : (vector<16xf32>, vector<16xi32>, vector<16xi1>) -> (vector<16xi1>, vector<16xf32>, vector<16xi32>)
      %mul3A_163 = arith.constant 64 : i32
      %mul3A_164 = arith.muli %add3A_132, %mul3A_163 : i32
      %add3A_165 = arith.constant 48 : i32
      %add3A_166 = arith.addi %mul3A_164, %add3A_165 : i32
      %get3A_167 = arith.index_cast %add3A_166 : i32 to index
      %get3A_168 = tpu.vector_load %arg5[%get3A_167] {strides = array<i32>} : memref<32768xf32, #tpu.memory_space<vmem>>, vector<16xf32>,
      %masked_sort3A_169 = arith.constant dense<true> : vector<16xi1>
      %masked_sort3A_170, %masked_sort3A_171, %masked_sort3A_172 = tpu.sort %get3A_168, %add3A_20 masked %masked_sort3A_169 {descending = true} : (vector<16xf32>, vector<16xi32>, vector<16xi1>) -> (vector<16xi1>, vector<16xf32>, vector<16xi32>)
      %rev3A_173 = arith.constant 15 : i32
      %rev3A_174 = vector.broadcast %rev3A_173 : i32 to vector<16xi32>
      %rev3A_175 = tpu.iota {dimensions = array<i32: 0>} : vector<16xi32>
      %rev3A_176 = arith.subi %rev3A_174, %rev3A_175 : vector<16xi32>
      %rev3A_177 = tpu.dynamic_gather %masked_sort3A_151[%rev3A_176] in [0] : vector<16xf32>, vector<16xi32> -> vector<16xf32>
      %rev3A_178 = arith.constant 15 : i32
      %rev3A_179 = vector.broadcast %rev3A_178 : i32 to vector<16xi32>
      %rev3A_180 = tpu.iota {dimensions = array<i32: 0>} : vector<16xi32>
      %rev3A_181 = arith.subi %rev3A_179, %rev3A_180 : vector<16xi32>
      %rev3A_182 = tpu.dynamic_gather %masked_sort3A_152[%rev3A_181] in [0] : vector<16xi32>, vector<16xi32> -> vector<16xi32>
      %ge3A_183 = arith.cmpf oge, %masked_sort3A_141, %rev3A_177 : vector<16xf32>
      %select_n3A_184 = arith.select %ge3A_183, %masked_sort3A_141, %rev3A_177 : vector<16xi1>, vector<16xf32>
      %select_n3A_185 = arith.select %ge3A_183, %masked_sort3A_142, %rev3A_182 : vector<16xi1>, vector<16xi32>
      %masked_sort3A_186 = arith.constant dense<true> : vector<16xi1>
      %masked_sort3A_187, %masked_sort3A_188, %masked_sort3A_189 = tpu.sort %select_n3A_184, %select_n3A_185 masked %masked_sort3A_186 {descending = true} : (vector<16xf32>, vector<16xi32>, vector<16xi1>) -> (vector<16xi1>, vector<16xf32>, vector<16xi32>)
      %rev3A_190 = arith.constant 15 : i32
      %rev3A_191 = vector.broadcast %rev3A_190 : i32 to vector<16xi32>
      %rev3A_192 = tpu.iota {dimensions = array<i32: 0>} : vector<16xi32>
      %rev3A_193 = arith.subi %rev3A_191, %rev3A_192 : vector<16xi32>
      %rev3A_194 = tpu.dynamic_gather %masked_sort3A_171[%rev3A_193] in [0] : vector<16xf32>, vector<16xi32> -> vector<16xf32>
      %rev3A_195 = arith.constant 15 : i32
      %rev3A_196 = vector.broadcast %rev3A_195 : i32 to vector<16xi32>
      %rev3A_197 = tpu.iota {dimensions = array<i32: 0>} : vector<16xi32>
      %rev3A_198 = arith.subi %rev3A_196, %rev3A_197 : vector<16xi32>
      %rev3A_199 = tpu.dynamic_gather %masked_sort3A_172[%rev3A_198] in [0] : vector<16xi32>, vector<16xi32> -> vector<16xi32>
      %ge3A_200 = arith.cmpf oge, %masked_sort3A_161, %rev3A_194 : vector<16xf32>
      %select_n3A_201 = arith.select %ge3A_200, %masked_sort3A_161, %rev3A_194 : vector<16xi1>, vector<16xf32>
      %select_n3A_202 = arith.select %ge3A_200, %masked_sort3A_162, %rev3A_199 : vector<16xi1>, vector<16xi32>
      %masked_sort3A_203 = arith.constant dense<true> : vector<16xi1>
      %masked_sort3A_204, %masked_sort3A_205, %masked_sort3A_206 = tpu.sort %select_n3A_201, %select_n3A_202 masked %masked_sort3A_203 {descending = true} : (vector<16xf32>, vector<16xi32>, vector<16xi1>) -> (vector<16xi1>, vector<16xf32>, vector<16xi32>)
      %rev3A_207 = arith.constant 15 : i32
      %rev3A_208 = vector.broadcast %rev3A_207 : i32 to vector<16xi32>
      %rev3A_209 = tpu.iota {dimensions = array<i32: 0>} : vector<16xi32>
      %rev3A_210 = arith.subi %rev3A_208, %rev3A_209 : vector<16xi32>
      %rev3A_211 = tpu.dynamic_gather %masked_sort3A_205[%rev3A_210] in [0] : vector<16xf32>, vector<16xi32> -> vector<16xf32>
      %rev3A_212 = arith.constant 15 : i32
      %rev3A_213 = vector.broadcast %rev3A_212 : i32 to vector<16xi32>
      %rev3A_214 = tpu.iota {dimensions = array<i32: 0>} : vector<16xi32>
      %rev3A_215 = arith.subi %rev3A_213, %rev3A_214 : vector<16xi32>
      %rev3A_216 = tpu.dynamic_gather %masked_sort3A_206[%rev3A_215] in [0] : vector<16xi32>, vector<16xi32> -> vector<16xi32>
      %ge3A_217 = arith.cmpf oge, %masked_sort3A_188, %rev3A_211 : vector<16xf32>
      %select_n3A_218 = arith.select %ge3A_217, %masked_sort3A_188, %rev3A_211 : vector<16xi1>, vector<16xf32>
      %select_n3A_219 = arith.select %ge3A_217, %masked_sort3A_189, %rev3A_216 : vector<16xi1>, vector<16xi32>
      %masked_sort3A_220 = arith.constant dense<true> : vector<16xi1>
      %masked_sort3A_221, %masked_sort3A_222, %masked_sort3A_223 = tpu.sort %select_n3A_218, %select_n3A_219 masked %masked_sort3A_220 {descending = true} : (vector<16xf32>, vector<16xi32>, vector<16xi1>) -> (vector<16xi1>, vector<16xf32>, vector<16xi32>)
      %jit3A_224 = arith.constant 0.000000e+00 : f32
      %broadcast_in_dim3A_225 = vector.broadcast %jit3A_224 : f32 to vector<16xf32>
      %select_n3A_226 = arith.select %lt3A_8, %masked_sort3A_222, %broadcast_in_dim3A_225 : vector<16xi1>, vector<16xf32>
      %reduce_sum3A_227 = arith.constant true
      %reduce_sum3A_228 = vector.broadcast %reduce_sum3A_227 : i1 to vector<16xi1>
      %reduce_sum3A_229 = tpu.scan <sum>, %select_n3A_226 masked %reduce_sum3A_228 : vector<16xf32>, vector<16xi1> -> vector<16xf32>
      %reduce_sum3A_230 = vector.extract %reduce_sum3A_229[15] : f32 from vector<16xf32>
      %broadcast_in_dim3A_231 = vector.broadcast %reduce_sum3A_230 : f32 to vector<16xf32>
      %div3A_232 = arith.divf %masked_sort3A_222, %broadcast_in_dim3A_231 : vector<16xf32>
      %mul3A_233 = arith.constant 16 : i32
      %mul3A_234 = arith.muli %add3A_132, %mul3A_233 : i32
      %swap3A_235 = arith.index_cast %mul3A_234 : i32 to index
      %swap3A_236 = tpu.vector_load %arg6[%swap3A_235] {strides = array<i32>} : memref<8192xi32, #tpu.memory_space<vmem>>, vector<16xi32>,
      tpu.vector_store %arg6[%swap3A_235], %masked_sort3A_223 {strides = array<i32>} : memref<8192xi32, #tpu.memory_space<vmem>>, vector<16xi32>,
      %mul3A_237 = arith.constant 16 : i32
      %mul3A_238 = arith.muli %add3A_132, %mul3A_237 : i32
      %swap3A_239 = arith.index_cast %mul3A_238 : i32 to index
      %swap3A_240 = tpu.vector_load %arg7[%swap3A_239] {strides = array<i32>} : memref<8192xf32, #tpu.memory_space<vmem>>, vector<16xf32>,
      tpu.vector_store %arg7[%swap3A_239], %div3A_232 {strides = array<i32>} : memref<8192xf32, #tpu.memory_space<vmem>>, vector<16xf32>,
      %add3A_241 = arith.constant 2 : i32
      %add3A_242 = arith.addi %mul3A_32, %add3A_241 : i32
      %mul3A_243 = arith.constant 64 : i32
      %mul3A_244 = arith.muli %add3A_242, %mul3A_243 : i32
      %add3A_245 = arith.constant 0 : i32
      %add3A_246 = arith.addi %mul3A_244, %add3A_245 : i32
      %get3A_247 = arith.index_cast %add3A_246 : i32 to index
      %get3A_248 = tpu.vector_load %arg5[%get3A_247] {strides = array<i32>} : memref<32768xf32, #tpu.memory_space<vmem>>, vector<16xf32>,
      %masked_sort3A_249 = arith.constant dense<true> : vector<16xi1>
      %masked_sort3A_250, %masked_sort3A_251, %masked_sort3A_252 = tpu.sort %get3A_248, %add3A_11 masked %masked_sort3A_249 {descending = true} : (vector<16xf32>, vector<16xi32>, vector<16xi1>) -> (vector<16xi1>, vector<16xf32>, vector<16xi32>)
      %mul3A_253 = arith.constant 64 : i32
      %mul3A_254 = arith.muli %add3A_242, %mul3A_253 : i32
      %add3A_255 = arith.constant 16 : i32
      %add3A_256 = arith.addi %mul3A_254, %add3A_255 : i32
      %get3A_257 = arith.index_cast %add3A_256 : i32 to index
      %get3A_258 = tpu.vector_load %arg5[%get3A_257] {strides = array<i32>} : memref<32768xf32, #tpu.memory_space<vmem>>, vector<16xf32>,
      %masked_sort3A_259 = arith.constant dense<true> : vector<16xi1>
      %masked_sort3A_260, %masked_sort3A_261, %masked_sort3A_262 = tpu.sort %get3A_258, %add3A_14 masked %masked_sort3A_259 {descending = true} : (vector<16xf32>, vector<16xi32>, vector<16xi1>) -> (vector<16xi1>, vector<16xf32>, vector<16xi32>)
      %mul3A_263 = arith.constant 64 : i32
      %mul3A_264 = arith.muli %add3A_242, %mul3A_263 : i32
      %add3A_265 = arith.constant 32 : i32
      %add3A_266 = arith.addi %mul3A_264, %add3A_265 : i32
      %get3A_267 = arith.index_cast %add3A_266 : i32 to index
      %get3A_268 = tpu.vector_load %arg5[%get3A_267] {strides = array<i32>} : memref<32768xf32, #tpu.memory_space<vmem>>, vector<16xf32>,
      %masked_sort3A_269 = arith.constant dense<true> : vector<16xi1>
      %masked_sort3A_270, %masked_sort3A_271, %masked_sort3A_272 = tpu.sort %get3A_268, %add3A_17 masked %masked_sort3A_269 {descending = true} : (vector<16xf32>, vector<16xi32>, vector<16xi1>) -> (vector<16xi1>, vector<16xf32>, vector<16xi32>)
      %mul3A_273 = arith.constant 64 : i32
      %mul3A_274 = arith.muli %add3A_242, %mul3A_273 : i32
      %add3A_275 = arith.constant 48 : i32
      %add3A_276 = arith.addi %mul3A_274, %add3A_275 : i32
      %get3A_277 = arith.index_cast %add3A_276 : i32 to index
      %get3A_278 = tpu.vector_load %arg5[%get3A_277] {strides = array<i32>} : memref<32768xf32, #tpu.memory_space<vmem>>, vector<16xf32>,
      %masked_sort3A_279 = arith.constant dense<true> : vector<16xi1>
      %masked_sort3A_280, %masked_sort3A_281, %masked_sort3A_282 = tpu.sort %get3A_278, %add3A_20 masked %masked_sort3A_279 {descending = true} : (vector<16xf32>, vector<16xi32>, vector<16xi1>) -> (vector<16xi1>, vector<16xf32>, vector<16xi32>)
      %rev3A_283 = arith.constant 15 : i32
      %rev3A_284 = vector.broadcast %rev3A_283 : i32 to vector<16xi32>
      %rev3A_285 = tpu.iota {dimensions = array<i32: 0>} : vector<16xi32>
      %rev3A_286 = arith.subi %rev3A_284, %rev3A_285 : vector<16xi32>
      %rev3A_287 = tpu.dynamic_gather %masked_sort3A_261[%rev3A_286] in [0] : vector<16xf32>, vector<16xi32> -> vector<16xf32>
      %rev3A_288 = arith.constant 15 : i32
      %rev3A_289 = vector.broadcast %rev3A_288 : i32 to vector<16xi32>
      %rev3A_290 = tpu.iota {dimensions = array<i32: 0>} : vector<16xi32>
      %rev3A_291 = arith.subi %rev3A_289, %rev3A_290 : vector<16xi32>
      %rev3A_292 = tpu.dynamic_gather %masked_sort3A_262[%rev3A_291] in [0] : vector<16xi32>, vector<16xi32> -> vector<16xi32>
      %ge3A_293 = arith.cmpf oge, %masked_sort3A_251, %rev3A_287 : vector<16xf32>
      %select_n3A_294 = arith.select %ge3A_293, %masked_sort3A_251, %rev3A_287 : vector<16xi1>, vector<16xf32>
      %select_n3A_295 = arith.select %ge3A_293, %masked_sort3A_252, %rev3A_292 : vector<16xi1>, vector<16xi32>
      %masked_sort3A_296 = arith.constant dense<true> : vector<16xi1>
      %masked_sort3A_297, %masked_sort3A_298, %masked_sort3A_299 = tpu.sort %select_n3A_294, %select_n3A_295 masked %masked_sort3A_296 {descending = true} : (vector<16xf32>, vector<16xi32>, vector<16xi1>) -> (vector<16xi1>, vector<16xf32>, vector<16xi32>)
      %rev3A_300 = arith.constant 15 : i32
      %rev3A_301 = vector.broadcast %rev3A_300 : i32 to vector<16xi32>
      %rev3A_302 = tpu.iota {dimensions = array<i32: 0>} : vector<16xi32>
      %rev3A_303 = arith.subi %rev3A_301, %rev3A_302 : vector<16xi32>
      %rev3A_304 = tpu.dynamic_gather %masked_sort3A_281[%rev3A_303] in [0] : vector<16xf32>, vector<16xi32> -> vector<16xf32>
      %rev3A_305 = arith.constant 15 : i32
      %rev3A_306 = vector.broadcast %rev3A_305 : i32 to vector<16xi32>
      %rev3A_307 = tpu.iota {dimensions = array<i32: 0>} : vector<16xi32>
      %rev3A_308 = arith.subi %rev3A_306, %rev3A_307 : vector<16xi32>
      %rev3A_309 = tpu.dynamic_gather %masked_sort3A_282[%rev3A_308] in [0] : vector<16xi32>, vector<16xi32> -> vector<16xi32>
      %ge3A_310 = arith.cmpf oge, %masked_sort3A_271, %rev3A_304 : vector<16xf32>
      %select_n3A_311 = arith.select %ge3A_310, %masked_sort3A_271, %rev3A_304 : vector<16xi1>, vector<16xf32>
      %select_n3A_312 = arith.select %ge3A_310, %masked_sort3A_272, %rev3A_309 : vector<16xi1>, vector<16xi32>
      %masked_sort3A_313 = arith.constant dense<true> : vector<16xi1>
      %masked_sort3A_314, %masked_sort3A_315, %masked_sort3A_316 = tpu.sort %select_n3A_311, %select_n3A_312 masked %masked_sort3A_313 {descending = true} : (vector<16xf32>, vector<16xi32>, vector<16xi1>) -> (vector<16xi1>, vector<16xf32>, vector<16xi32>)
      %rev3A_317 = arith.constant 15 : i32
      %rev3A_318 = vector.broadcast %rev3A_317 : i32 to vector<16xi32>
      %rev3A_319 = tpu.iota {dimensions = array<i32: 0>} : vector<16xi32>
      %rev3A_320 = arith.subi %rev3A_318, %rev3A_319 : vector<16xi32>
      %rev3A_321 = tpu.dynamic_gather %masked_sort3A_315[%rev3A_320] in [0] : vector<16xf32>, vector<16xi32> -> vector<16xf32>
      %rev3A_322 = arith.constant 15 : i32
      %rev3A_323 = vector.broadcast %rev3A_322 : i32 to vector<16xi32>
      %rev3A_324 = tpu.iota {dimensions = array<i32: 0>} : vector<16xi32>
      %rev3A_325 = arith.subi %rev3A_323, %rev3A_324 : vector<16xi32>
      %rev3A_326 = tpu.dynamic_gather %masked_sort3A_316[%rev3A_325] in [0] : vector<16xi32>, vector<16xi32> -> vector<16xi32>
      %ge3A_327 = arith.cmpf oge, %masked_sort3A_298, %rev3A_321 : vector<16xf32>
      %select_n3A_328 = arith.select %ge3A_327, %masked_sort3A_298, %rev3A_321 : vector<16xi1>, vector<16xf32>
      %select_n3A_329 = arith.select %ge3A_327, %masked_sort3A_299, %rev3A_326 : vector<16xi1>, vector<16xi32>
      %masked_sort3A_330 = arith.constant dense<true> : vector<16xi1>
      %masked_sort3A_331, %masked_sort3A_332, %masked_sort3A_333 = tpu.sort %select_n3A_328, %select_n3A_329 masked %masked_sort3A_330 {descending = true} : (vector<16xf32>, vector<16xi32>, vector<16xi1>) -> (vector<16xi1>, vector<16xf32>, vector<16xi32>)
      %jit3A_334 = arith.constant 0.000000e+00 : f32
      %broadcast_in_dim3A_335 = vector.broadcast %jit3A_334 : f32 to vector<16xf32>
      %select_n3A_336 = arith.select %lt3A_8, %masked_sort3A_332, %broadcast_in_dim3A_335 : vector<16xi1>, vector<16xf32>
      %reduce_sum3A_337 = arith.constant true
      %reduce_sum3A_338 = vector.broadcast %reduce_sum3A_337 : i1 to vector<16xi1>
      %reduce_sum3A_339 = tpu.scan <sum>, %select_n3A_336 masked %reduce_sum3A_338 : vector<16xf32>, vector<16xi1> -> vector<16xf32>
      %reduce_sum3A_340 = vector.extract %reduce_sum3A_339[15] : f32 from vector<16xf32>
      %broadcast_in_dim3A_341 = vector.broadcast %reduce_sum3A_340 : f32 to vector<16xf32>
      %div3A_342 = arith.divf %masked_sort3A_332, %broadcast_in_dim3A_341 : vector<16xf32>
      %mul3A_343 = arith.constant 16 : i32
      %mul3A_344 = arith.muli %add3A_242, %mul3A_343 : i32
      %swap3A_345 = arith.index_cast %mul3A_344 : i32 to index
      %swap3A_346 = tpu.vector_load %arg6[%swap3A_345] {strides = array<i32>} : memref<8192xi32, #tpu.memory_space<vmem>>, vector<16xi32>,
      tpu.vector_store %arg6[%swap3A_345], %masked_sort3A_333 {strides = array<i32>} : memref<8192xi32, #tpu.memory_space<vmem>>, vector<16xi32>,
      %mul3A_347 = arith.constant 16 : i32
      %mul3A_348 = arith.muli %add3A_242, %mul3A_347 : i32
      %swap3A_349 = arith.index_cast %mul3A_348 : i32 to index
      %swap3A_350 = tpu.vector_load %arg7[%swap3A_349] {strides = array<i32>} : memref<8192xf32, #tpu.memory_space<vmem>>, vector<16xf32>,
      tpu.vector_store %arg7[%swap3A_349], %div3A_342 {strides = array<i32>} : memref<8192xf32, #tpu.memory_space<vmem>>, vector<16xf32>,
      %add3A_351 = arith.constant 3 : i32
      %add3A_352 = arith.addi %mul3A_32, %add3A_351 : i32
      %mul3A_353 = arith.constant 64 : i32
      %mul3A_354 = arith.muli %add3A_352, %mul3A_353 : i32
      %add3A_355 = arith.constant 0 : i32
      %add3A_356 = arith.addi %mul3A_354, %add3A_355 : i32
      %get3A_357 = arith.index_cast %add3A_356 : i32 to index
      %get3A_358 = tpu.vector_load %arg5[%get3A_357] {strides = array<i32>} : memref<32768xf32, #tpu.memory_space<vmem>>, vector<16xf32>,
      %masked_sort3A_359 = arith.constant dense<true> : vector<16xi1>
      %masked_sort3A_360, %masked_sort3A_361, %masked_sort3A_362 = tpu.sort %get3A_358, %add3A_11 masked %masked_sort3A_359 {descending = true} : (vector<16xf32>, vector<16xi32>, vector<16xi1>) -> (vector<16xi1>, vector<16xf32>, vector<16xi32>)
      %mul3A_363 = arith.constant 64 : i32
      %mul3A_364 = arith.muli %add3A_352, %mul3A_363 : i32
      %add3A_365 = arith.constant 16 : i32
      %add3A_366 = arith.addi %mul3A_364, %add3A_365 : i32
      %get3A_367 = arith.index_cast %add3A_366 : i32 to index
      %get3A_368 = tpu.vector_load %arg5[%get3A_367] {strides = array<i32>} : memref<32768xf32, #tpu.memory_space<vmem>>, vector<16xf32>,
      %masked_sort3A_369 = arith.constant dense<true> : vector<16xi1>
      %masked_sort3A_370, %masked_sort3A_371, %masked_sort3A_372 = tpu.sort %get3A_368, %add3A_14 masked %masked_sort3A_369 {descending = true} : (vector<16xf32>, vector<16xi32>, vector<16xi1>) -> (vector<16xi1>, vector<16xf32>, vector<16xi32>)
      %mul3A_373 = arith.constant 64 : i32
      %mul3A_374 = arith.muli %add3A_352, %mul3A_373 : i32
      %add3A_375 = arith.constant 32 : i32
      %add3A_376 = arith.addi %mul3A_374, %add3A_375 : i32
      %get3A_377 = arith.index_cast %add3A_376 : i32 to index
      %get3A_378 = tpu.vector_load %arg5[%get3A_377] {strides = array<i32>} : memref<32768xf32, #tpu.memory_space<vmem>>, vector<16xf32>,
      %masked_sort3A_379 = arith.constant dense<true> : vector<16xi1>
      %masked_sort3A_380, %masked_sort3A_381, %masked_sort3A_382 = tpu.sort %get3A_378, %add3A_17 masked %masked_sort3A_379 {descending = true} : (vector<16xf32>, vector<16xi32>, vector<16xi1>) -> (vector<16xi1>, vector<16xf32>, vector<16xi32>)
      %mul3A_383 = arith.constant 64 : i32
      %mul3A_384 = arith.muli %add3A_352, %mul3A_383 : i32
      %add3A_385 = arith.constant 48 : i32
      %add3A_386 = arith.addi %mul3A_384, %add3A_385 : i32
      %get3A_387 = arith.index_cast %add3A_386 : i32 to index
      %get3A_388 = tpu.vector_load %arg5[%get3A_387] {strides = array<i32>} : memref<32768xf32, #tpu.memory_space<vmem>>, vector<16xf32>,
      %masked_sort3A_389 = arith.constant dense<true> : vector<16xi1>
      %masked_sort3A_390, %masked_sort3A_391, %masked_sort3A_392 = tpu.sort %get3A_388, %add3A_20 masked %masked_sort3A_389 {descending = true} : (vector<16xf32>, vector<16xi32>, vector<16xi1>) -> (vector<16xi1>, vector<16xf32>, vector<16xi32>)
      %rev3A_393 = arith.constant 15 : i32
      %rev3A_394 = vector.broadcast %rev3A_393 : i32 to vector<16xi32>
      %rev3A_395 = tpu.iota {dimensions = array<i32: 0>} : vector<16xi32>
      %rev3A_396 = arith.subi %rev3A_394, %rev3A_395 : vector<16xi32>
      %rev3A_397 = tpu.dynamic_gather %masked_sort3A_371[%rev3A_396] in [0] : vector<16xf32>, vector<16xi32> -> vector<16xf32>
      %rev3A_398 = arith.constant 15 : i32
      %rev3A_399 = vector.broadcast %rev3A_398 : i32 to vector<16xi32>
      %rev3A_400 = tpu.iota {dimensions = array<i32: 0>} : vector<16xi32>
      %rev3A_401 = arith.subi %rev3A_399, %rev3A_400 : vector<16xi32>
      %rev3A_402 = tpu.dynamic_gather %masked_sort3A_372[%rev3A_401] in [0] : vector<16xi32>, vector<16xi32> -> vector<16xi32>
      %ge3A_403 = arith.cmpf oge, %masked_sort3A_361, %rev3A_397 : vector<16xf32>
      %select_n3A_404 = arith.select %ge3A_403, %masked_sort3A_361, %rev3A_397 : vector<16xi1>, vector<16xf32>
      %select_n3A_405 = arith.select %ge3A_403, %masked_sort3A_362, %rev3A_402 : vector<16xi1>, vector<16xi32>
      %masked_sort3A_406 = arith.constant dense<true> : vector<16xi1>
      %masked_sort3A_407, %masked_sort3A_408, %masked_sort3A_409 = tpu.sort %select_n3A_404, %select_n3A_405 masked %masked_sort3A_406 {descending = true} : (vector<16xf32>, vector<16xi32>, vector<16xi1>) -> (vector<16xi1>, vector<16xf32>, vector<16xi32>)
      %rev3A_410 = arith.constant 15 : i32
      %rev3A_411 = vector.broadcast %rev3A_410 : i32 to vector<16xi32>
      %rev3A_412 = tpu.iota {dimensions = array<i32: 0>} : vector<16xi32>
      %rev3A_413 = arith.subi %rev3A_411, %rev3A_412 : vector<16xi32>
      %rev3A_414 = tpu.dynamic_gather %masked_sort3A_391[%rev3A_413] in [0] : vector<16xf32>, vector<16xi32> -> vector<16xf32>
      %rev3A_415 = arith.constant 15 : i32
      %rev3A_416 = vector.broadcast %rev3A_415 : i32 to vector<16xi32>
      %rev3A_417 = tpu.iota {dimensions = array<i32: 0>} : vector<16xi32>
      %rev3A_418 = arith.subi %rev3A_416, %rev3A_417 : vector<16xi32>
      %rev3A_419 = tpu.dynamic_gather %masked_sort3A_392[%rev3A_418] in [0] : vector<16xi32>, vector<16xi32> -> vector<16xi32>
      %ge3A_420 = arith.cmpf oge, %masked_sort3A_381, %rev3A_414 : vector<16xf32>
      %select_n3A_421 = arith.select %ge3A_420, %masked_sort3A_381, %rev3A_414 : vector<16xi1>, vector<16xf32>
      %select_n3A_422 = arith.select %ge3A_420, %masked_sort3A_382, %rev3A_419 : vector<16xi1>, vector<16xi32>
      %masked_sort3A_423 = arith.constant dense<true> : vector<16xi1>
      %masked_sort3A_424, %masked_sort3A_425, %masked_sort3A_426 = tpu.sort %select_n3A_421, %select_n3A_422 masked %masked_sort3A_423 {descending = true} : (vector<16xf32>, vector<16xi32>, vector<16xi1>) -> (vector<16xi1>, vector<16xf32>, vector<16xi32>)
      %rev3A_427 = arith.constant 15 : i32
      %rev3A_428 = vector.broadcast %rev3A_427 : i32 to vector<16xi32>
      %rev3A_429 = tpu.iota {dimensions = array<i32: 0>} : vector<16xi32>
      %rev3A_430 = arith.subi %rev3A_428, %rev3A_429 : vector<16xi32>
      %rev3A_431 = tpu.dynamic_gather %masked_sort3A_425[%rev3A_430] in [0] : vector<16xf32>, vector<16xi32> -> vector<16xf32>
      %rev3A_432 = arith.constant 15 : i32
      %rev3A_433 = vector.broadcast %rev3A_432 : i32 to vector<16xi32>
      %rev3A_434 = tpu.iota {dimensions = array<i32: 0>} : vector<16xi32>
      %rev3A_435 = arith.subi %rev3A_433, %rev3A_434 : vector<16xi32>
      %rev3A_436 = tpu.dynamic_gather %masked_sort3A_426[%rev3A_435] in [0] : vector<16xi32>, vector<16xi32> -> vector<16xi32>
      %ge3A_437 = arith.cmpf oge, %masked_sort3A_408, %rev3A_431 : vector<16xf32>
      %select_n3A_438 = arith.select %ge3A_437, %masked_sort3A_408, %rev3A_431 : vector<16xi1>, vector<16xf32>
      %select_n3A_439 = arith.select %ge3A_437, %masked_sort3A_409, %rev3A_436 : vector<16xi1>, vector<16xi32>
      %masked_sort3A_440 = arith.constant dense<true> : vector<16xi1>
      %masked_sort3A_441, %masked_sort3A_442, %masked_sort3A_443 = tpu.sort %select_n3A_438, %select_n3A_439 masked %masked_sort3A_440 {descending = true} : (vector<16xf32>, vector<16xi32>, vector<16xi1>) -> (vector<16xi1>, vector<16xf32>, vector<16xi32>)
      %jit3A_444 = arith.constant 0.000000e+00 : f32
      %broadcast_in_dim3A_445 = vector.broadcast %jit3A_444 : f32 to vector<16xf32>
      %select_n3A_446 = arith.select %lt3A_8, %masked_sort3A_442, %broadcast_in_dim3A_445 : vector<16xi1>, vector<16xf32>
      %reduce_sum3A_447 = arith.constant true
      %reduce_sum3A_448 = vector.broadcast %reduce_sum3A_447 : i1 to vector<16xi1>
      %reduce_sum3A_449 = tpu.scan <sum>, %select_n3A_446 masked %reduce_sum3A_448 : vector<16xf32>, vector<16xi1> -> vector<16xf32>
      %reduce_sum3A_450 = vector.extract %reduce_sum3A_449[15] : f32 from vector<16xf32>
      %broadcast_in_dim3A_451 = vector.broadcast %reduce_sum3A_450 : f32 to vector<16xf32>
      %div3A_452 = arith.divf %masked_sort3A_442, %broadcast_in_dim3A_451 : vector<16xf32>
      %mul3A_453 = arith.constant 16 : i32
      %mul3A_454 = arith.muli %add3A_352, %mul3A_453 : i32
      %swap3A_455 = arith.index_cast %mul3A_454 : i32 to index
      %swap3A_456 = tpu.vector_load %arg6[%swap3A_455] {strides = array<i32>} : memref<8192xi32, #tpu.memory_space<vmem>>, vector<16xi32>,
      tpu.vector_store %arg6[%swap3A_455], %masked_sort3A_443 {strides = array<i32>} : memref<8192xi32, #tpu.memory_space<vmem>>, vector<16xi32>,
      %mul3A_457 = arith.constant 16 : i32
      %mul3A_458 = arith.muli %add3A_352, %mul3A_457 : i32
      %swap3A_459 = arith.index_cast %mul3A_458 : i32 to index
      %swap3A_460 = tpu.vector_load %arg7[%swap3A_459] {strides = array<i32>} : memref<8192xf32, #tpu.memory_space<vmem>>, vector<16xf32>,
      tpu.vector_store %arg7[%swap3A_459], %div3A_452 {strides = array<i32>} : memref<8192xf32, #tpu.memory_space<vmem>>, vector<16xf32>,
    }
    %scan3A_25 = arith.constant 128 : i32
    %mul3A_26 = arith.constant 16 : i32
    %mul3A_27 = arith.muli %mul3A_2, %mul3A_26 : i32
    "tpu.region"() ({
      %run_scoped3A = tpu.sem_alloc : memref<!tpu.dma_semaphore, #tpu.memory_space<semaphore_mem>>
      %dma_start3A_30 = tpu.memref_slice %arg3[%mul3A_27] : memref<262144xi32, #tpu.memory_space<hbm>> -> memref<8192xi32, #tpu.memory_space<hbm>>
      %dma_start3A_31 = tpu.memref_slice %arg3[%mul3A_27] : memref<262144xi32, #tpu.memory_space<hbm>> -> memref<8192xi32, #tpu.memory_space<hbm>>
      tpu.enqueue_dma source(%arg6 : memref<8192xi32, #tpu.memory_space<vmem>>) target(%dma_start3A_31 : memref<8192xi32, #tpu.memory_space<hbm>>) target_semaphore(%run_scoped3A : memref<!tpu.dma_semaphore, #tpu.memory_space<semaphore_mem>>)
      %dma_wait3A_32 = tpu.memref_slice %arg3[%mul3A_27] : memref<262144xi32, #tpu.memory_space<hbm>> -> memref<8192xi32, #tpu.memory_space<hbm>>
      %dma_wait3A_33 = tpu.memref_slice %arg3[%mul3A_27] : memref<262144xi32, #tpu.memory_space<hbm>> -> memref<8192xi32, #tpu.memory_space<hbm>>
      tpu.wait_dma2 semaphore(%run_scoped3A : memref<!tpu.dma_semaphore, #tpu.memory_space<semaphore_mem>>) src(%arg6 : memref<8192xi32, #tpu.memory_space<vmem>>) dst(%dma_wait3A_33 : memref<8192xi32, #tpu.memory_space<hbm>>)
      tpu.yield
    }) : () -> ()
    %mul3A_28 = arith.constant 16 : i32
    %mul3A_29 = arith.muli %mul3A_2, %mul3A_28 : i32
    "tpu.region"() ({
      %run_scoped3A = tpu.sem_alloc : memref<!tpu.dma_semaphore, #tpu.memory_space<semaphore_mem>>
      %dma_start3A_30 = tpu.memref_slice %arg4[%mul3A_29] : memref<262144xf32, #tpu.memory_space<hbm>> -> memref<8192xf32, #tpu.memory_space<hbm>>
      %dma_start3A_31 = tpu.memref_slice %arg4[%mul3A_29] : memref<262144xf32, #tpu.memory_space<hbm>> -> memref<8192xf32, #tpu.memory_space<hbm>>
      tpu.enqueue_dma source(%arg7 : memref<8192xf32, #tpu.memory_space<vmem>>) target(%dma_start3A_31 : memref<8192xf32, #tpu.memory_space<hbm>>) target_semaphore(%run_scoped3A : memref<!tpu.dma_semaphore, #tpu.memory_space<semaphore_mem>>)
      %dma_wait3A_32 = tpu.memref_slice %arg4[%mul3A_29] : memref<262144xf32, #tpu.memory_space<hbm>> -> memref<8192xf32, #tpu.memory_space<hbm>>
      %dma_wait3A_33 = tpu.memref_slice %arg4[%mul3A_29] : memref<262144xf32, #tpu.memory_space<hbm>> -> memref<8192xf32, #tpu.memory_space<hbm>>
      tpu.wait_dma2 semaphore(%run_scoped3A : memref<!tpu.dma_semaphore, #tpu.memory_space<semaphore_mem>>) src(%arg7 : memref<8192xf32, #tpu.memory_space<vmem>>) dst(%dma_wait3A_33 : memref<8192xf32, #tpu.memory_space<hbm>>)
      tpu.yield
    }) : () -> ()
    return
  }
}

#map = affine_map<(d0, d1) -> (0)>
module attributes {stable_mosaic.version = 14 : i64} {
  func.func @_sc_topk(%arg0: i32, %arg1: i32, %arg2: memref<1048576xf32, #tpu.memory_space<hbm>>, %arg3: memref<262144xi32, #tpu.memory_space<hbm>>, %arg4: memref<262144xf32, #tpu.memory_space<hbm>>, %arg5: memref<32768xf32, #tpu.memory_space<vmem>>, %arg6: memref<8192xi32, #tpu.memory_space<vmem>>, %arg7: memref<8192xf32, #tpu.memory_space<vmem>>, %arg8: memref<!tpu.dma_semaphore, #tpu.memory_space<semaphore_mem>>) attributes {dimension_semantics = [#tpu.dimension_semantics<core_parallel>, #tpu.dimension_semantics<subcore_parallel>], iteration_bounds = array<i64: 2, 16>, scalar_prefetch = 0 : i64, scratch_operands = 4 : i64, tpu.core_type = #tpu.core_type<sc_vector_subcore>, window_params = [{transform_indices = #map}, {transform_indices = #map}, {transform_indices = #map}]} {
    %mul3A = arith.constant 2 : i32
    %mul3A_0 = arith.muli %arg1, %mul3A : i32
    %add3A = arith.addi %mul3A_0, %arg0 : i32
    %mul3A_1 = arith.constant 512 : i32
    %mul3A_2 = arith.muli %add3A, %mul3A_1 : i32
    %mul3A_3 = arith.constant 64 : i32
    %mul3A_4 = arith.muli %mul3A_2, %mul3A_3 : i32
    %dma_start3A = tpu.memref_slice %arg2[%mul3A_4] : memref<1048576xf32, #tpu.memory_space<hbm>> -> memref<32768xf32, #tpu.memory_space<hbm>>
    %dma_start3A_5 = tpu.memref_slice %arg2[%mul3A_4] : memref<1048576xf32, #tpu.memory_space<hbm>> -> memref<32768xf32, #tpu.memory_space<hbm>>
    tpu.enqueue_dma source(%dma_start3A_5 : memref<32768xf32, #tpu.memory_space<hbm>>) target(%arg5 : memref<32768xf32, #tpu.memory_space<vmem>>) target_semaphore(%arg8 : memref<!tpu.dma_semaphore, #tpu.memory_space<semaphore_mem>>)
    %dma_wait3A = tpu.memref_slice %arg2[%mul3A_4] : memref<1048576xf32, #tpu.memory_space<hbm>> -> memref<32768xf32, #tpu.memory_space<hbm>>
    %dma_wait3A_6 = tpu.memref_slice %arg2[%mul3A_4] : memref<1048576xf32, #tpu.memory_space<hbm>> -> memref<32768xf32, #tpu.memory_space<hbm>>
    tpu.wait_dma2 semaphore(%arg8 : memref<!tpu.dma_semaphore, #tpu.memory_space<semaphore_mem>>) src(%dma_wait3A_6 : memref<32768xf32, #tpu.memory_space<hbm>>) dst(%arg5 : memref<32768xf32, #tpu.memory_space<vmem>>)
    %iota3A = tpu.iota {dimensions = array<i32: 0>} : vector<16xi32>
    %lt3A = arith.constant 8 : i32
    %lt3A_7 = vector.broadcast %lt3A : i32 to vector<16xi32>
    %lt3A_8 = arith.cmpi slt, %iota3A, %lt3A_7 : vector<16xi32>
    %add3A_9 = arith.constant 0 : i32
    %add3A_10 = vector.broadcast %add3A_9 : i32 to vector<16xi32>
    %add3A_11 = arith.addi %iota3A, %add3A_10 : vector<16xi32>
    %add3A_12 = arith.constant 16 : i32
    %add3A_13 = vector.broadcast %add3A_12 : i32 to vector<16xi32>
    %add3A_14 = arith.addi %iota3A, %add3A_13 : vector<16xi32>
    %add3A_15 = arith.constant 32 : i32
    %add3A_16 = vector.broadcast %add3A_15 : i32 to vector<16xi32>
    %add3A_17 = arith.addi %iota3A, %add3A_16 : vector<16xi32>
    %add3A_18 = arith.constant 48 : i32
    %add3A_19 = vector.broadcast %add3A_18 : i32 to vector<16xi32>
    %add3A_20 = arith.addi %iota3A, %add3A_19 : vector<16xi32>
    %scan3A = arith.constant 0 : i32
    %scan3A_21 = arith.constant 0 : i32
    %scan3A_22 = arith.constant 128 : i32
    %scan3A_23 = arith.addi %scan3A_21, %scan3A_22 : i32
    %scan3A_24 = arith.constant 1 : i32
    scf.for %scan3A_30 = %scan3A_21 to %scan3A_23 step %scan3A_24  : i32 {
      %mul3A_31 = arith.constant 4 : i32
      %mul3A_32 = arith.muli %scan3A_30, %mul3A_31 : i32
      %mul3A_33 = arith.constant 64 : i32
      %mul3A_34 = arith.muli %mul3A_32, %mul3A_33 : i32
      %add3A_35 = arith.constant 0 : i32
      %add3A_36 = arith.addi %mul3A_34, %add3A_35 : i32
      %get3A = arith.index_cast %add3A_36 : i32 to index
      %get3A_37 = tpu.vector_load %arg5[%get3A] {strides = array<i32>} : memref<32768xf32, #tpu.memory_space<vmem>>, vector<16xf32>,
      %masked_sort3A = arith.constant dense<true> : vector<16xi1>
      %masked_sort3A_38, %masked_sort3A_39, %masked_sort3A_40 = tpu.sort %get3A_37, %add3A_11 masked %masked_sort3A {descending = true} : (vector<16xf32>, vector<16xi32>, vector<16xi1>) -> (vector<16xi1>, vector<16xf32>, vector<16xi32>)
      %mul3A_41 = arith.constant 64 : i32
      %mul3A_42 = arith.muli %mul3A_32, %mul3A_41 : i32
      %add3A_43 = arith.constant 16 : i32
      %add3A_44 = arith.addi %mul3A_42, %add3A_43 : i32
      %get3A_45 = arith.index_cast %add3A_44 : i32 to index
      %get3A_46 = tpu.vector_load %arg5[%get3A_45] {strides = array<i32>} : memref<32768xf32, #tpu.memory_space<vmem>>, vector<16xf32>,
      %masked_sort3A_47 = arith.constant dense<true> : vector<16xi1>
      %masked_sort3A_48, %masked_sort3A_49, %masked_sort3A_50 = tpu.sort %get3A_46, %add3A_14 masked %masked_sort3A_47 {descending = true} : (vector<16xf32>, vector<16xi32>, vector<16xi1>) -> (vector<16xi1>, vector<16xf32>, vector<16xi32>)
      %mul3A_51 = arith.constant 64 : i32
      %mul3A_52 = arith.muli %mul3A_32, %mul3A_51 : i32
      %add3A_53 = arith.constant 32 : i32
      %add3A_54 = arith.addi %mul3A_52, %add3A_53 : i32
      %get3A_55 = arith.index_cast %add3A_54 : i32 to index
      %get3A_56 = tpu.vector_load %arg5[%get3A_55] {strides = array<i32>} : memref<32768xf32, #tpu.memory_space<vmem>>, vector<16xf32>,
      %masked_sort3A_57 = arith.constant dense<true> : vector<16xi1>
      %masked_sort3A_58, %masked_sort3A_59, %masked_sort3A_60 = tpu.sort %get3A_56, %add3A_17 masked %masked_sort3A_57 {descending = true} : (vector<16xf32>, vector<16xi32>, vector<16xi1>) -> (vector<16xi1>, vector<16xf32>, vector<16xi32>)
      %mul3A_61 = arith.constant 64 : i32
      %mul3A_62 = arith.muli %mul3A_32, %mul3A_61 : i32
      %add3A_63 = arith.constant 48 : i32
      %add3A_64 = arith.addi %mul3A_62, %add3A_63 : i32
      %get3A_65 = arith.index_cast %add3A_64 : i32 to index
      %get3A_66 = tpu.vector_load %arg5[%get3A_65] {strides = array<i32>} : memref<32768xf32, #tpu.memory_space<vmem>>, vector<16xf32>,
      %masked_sort3A_67 = arith.constant dense<true> : vector<16xi1>
      %masked_sort3A_68, %masked_sort3A_69, %masked_sort3A_70 = tpu.sort %get3A_66, %add3A_20 masked %masked_sort3A_67 {descending = true} : (vector<16xf32>, vector<16xi32>, vector<16xi1>) -> (vector<16xi1>, vector<16xf32>, vector<16xi32>)
      %rev3A = arith.constant 15 : i32
      %rev3A_71 = vector.broadcast %rev3A : i32 to vector<16xi32>
      %rev3A_72 = tpu.iota {dimensions = array<i32: 0>} : vector<16xi32>
      %rev3A_73 = arith.subi %rev3A_71, %rev3A_72 : vector<16xi32>
      %rev3A_74 = tpu.dynamic_gather %masked_sort3A_49[%rev3A_73] in [0] : vector<16xf32>, vector<16xi32> -> vector<16xf32>
      %rev3A_75 = arith.constant 15 : i32
      %rev3A_76 = vector.broadcast %rev3A_75 : i32 to vector<16xi32>
      %rev3A_77 = tpu.iota {dimensions = array<i32: 0>} : vector<16xi32>
      %rev3A_78 = arith.subi %rev3A_76, %rev3A_77 : vector<16xi32>
      %rev3A_79 = tpu.dynamic_gather %masked_sort3A_50[%rev3A_78] in [0] : vector<16xi32>, vector<16xi32> -> vector<16xi32>
      %ge3A = arith.cmpf oge, %masked_sort3A_39, %rev3A_74 : vector<16xf32>
      %select_n3A = arith.select %ge3A, %masked_sort3A_39, %rev3A_74 : vector<16xi1>, vector<16xf32>
      %select_n3A_80 = arith.select %ge3A, %masked_sort3A_40, %rev3A_79 : vector<16xi1>, vector<16xi32>
      %masked_sort3A_81 = arith.constant dense<true> : vector<16xi1>
      %masked_sort3A_82, %masked_sort3A_83, %masked_sort3A_84 = tpu.sort %select_n3A, %select_n3A_80 masked %masked_sort3A_81 {descending = true} : (vector<16xf32>, vector<16xi32>, vector<16xi1>) -> (vector<16xi1>, vector<16xf32>, vector<16xi32>)
      %rev3A_85 = arith.constant 15 : i32
      %rev3A_86 = vector.broadcast %rev3A_85 : i32 to vector<16xi32>
      %rev3A_87 = tpu.iota {dimensions = array<i32: 0>} : vector<16xi32>
      %rev3A_88 = arith.subi %rev3A_86, %rev3A_87 : vector<16xi32>
      %rev3A_89 = tpu.dynamic_gather %masked_sort3A_69[%rev3A_88] in [0] : vector<16xf32>, vector<16xi32> -> vector<16xf32>
      %rev3A_90 = arith.constant 15 : i32
      %rev3A_91 = vector.broadcast %rev3A_90 : i32 to vector<16xi32>
      %rev3A_92 = tpu.iota {dimensions = array<i32: 0>} : vector<16xi32>
      %rev3A_93 = arith.subi %rev3A_91, %rev3A_92 : vector<16xi32>
      %rev3A_94 = tpu.dynamic_gather %masked_sort3A_70[%rev3A_93] in [0] : vector<16xi32>, vector<16xi32> -> vector<16xi32>
      %ge3A_95 = arith.cmpf oge, %masked_sort3A_59, %rev3A_89 : vector<16xf32>
      %select_n3A_96 = arith.select %ge3A_95, %masked_sort3A_59, %rev3A_89 : vector<16xi1>, vector<16xf32>
      %select_n3A_97 = arith.select %ge3A_95, %masked_sort3A_60, %rev3A_94 : vector<16xi1>, vector<16xi32>
      %masked_sort3A_98 = arith.constant dense<true> : vector<16xi1>
      %masked_sort3A_99, %masked_sort3A_100, %masked_sort3A_101 = tpu.sort %select_n3A_96, %select_n3A_97 masked %masked_sort3A_98 {descending = true} : (vector<16xf32>, vector<16xi32>, vector<16xi1>) -> (vector<16xi1>, vector<16xf32>, vector<16xi32>)
      %rev3A_102 = arith.constant 15 : i32
      %rev3A_103 = vector.broadcast %rev3A_102 : i32 to vector<16xi32>
      %rev3A_104 = tpu.iota {dimensions = array<i32: 0>} : vector<16xi32>
      %rev3A_105 = arith.subi %rev3A_103, %rev3A_104 : vector<16xi32>
      %rev3A_106 = tpu.dynamic_gather %masked_sort3A_100[%rev3A_105] in [0] : vector<16xf32>, vector<16xi32> -> vector<16xf32>
      %rev3A_107 = arith.constant 15 : i32
      %rev3A_108 = vector.broadcast %rev3A_107 : i32 to vector<16xi32>
      %rev3A_109 = tpu.iota {dimensions = array<i32: 0>} : vector<16xi32>
      %rev3A_110 = arith.subi %rev3A_108, %rev3A_109 : vector<16xi32>
      %rev3A_111 = tpu.dynamic_gather %masked_sort3A_101[%rev3A_110] in [0] : vector<16xi32>, vector<16xi32> -> vector<16xi32>
      %ge3A_112 = arith.cmpf oge, %masked_sort3A_83, %rev3A_106 : vector<16xf32>
      %select_n3A_113 = arith.select %ge3A_112, %masked_sort3A_83, %rev3A_106 : vector<16xi1>, vector<16xf32>
      %select_n3A_114 = arith.select %ge3A_112, %masked_sort3A_84, %rev3A_111 : vector<16xi1>, vector<16xi32>
      %masked_sort3A_115 = arith.constant dense<true> : vector<16xi1>
      %masked_sort3A_116, %masked_sort3A_117, %masked_sort3A_118 = tpu.sort %select_n3A_113, %select_n3A_114 masked %masked_sort3A_115 {descending = true} : (vector<16xf32>, vector<16xi32>, vector<16xi1>) -> (vector<16xi1>, vector<16xf32>, vector<16xi32>)
      %jit3A = arith.constant 0.000000e+00 : f32
      %broadcast_in_dim3A = vector.broadcast %jit3A : f32 to vector<16xf32>
      %select_n3A_119 = arith.select %lt3A_8, %masked_sort3A_117, %broadcast_in_dim3A : vector<16xi1>, vector<16xf32>
      %reduce_sum3A = arith.constant true
      %reduce_sum3A_120 = vector.broadcast %reduce_sum3A : i1 to vector<16xi1>
      %reduce_sum3A_121 = tpu.scan <sum>, %select_n3A_119 masked %reduce_sum3A_120 : vector<16xf32>, vector<16xi1> -> vector<16xf32>
      %reduce_sum3A_122 = vector.extract %reduce_sum3A_121[15] : f32 from vector<16xf32>
      %broadcast_in_dim3A_123 = vector.broadcast %reduce_sum3A_122 : f32 to vector<16xf32>
      %div3A = arith.divf %masked_sort3A_117, %broadcast_in_dim3A_123 : vector<16xf32>
      %mul3A_124 = arith.constant 16 : i32
      %mul3A_125 = arith.muli %mul3A_32, %mul3A_124 : i32
      %swap3A = arith.index_cast %mul3A_125 : i32 to index
      %swap3A_126 = tpu.vector_load %arg6[%swap3A] {strides = array<i32>} : memref<8192xi32, #tpu.memory_space<vmem>>, vector<16xi32>,
      tpu.vector_store %arg6[%swap3A], %masked_sort3A_118 {strides = array<i32>} : memref<8192xi32, #tpu.memory_space<vmem>>, vector<16xi32>,
      %mul3A_127 = arith.constant 16 : i32
      %mul3A_128 = arith.muli %mul3A_32, %mul3A_127 : i32
      %swap3A_129 = arith.index_cast %mul3A_128 : i32 to index
      %swap3A_130 = tpu.vector_load %arg7[%swap3A_129] {strides = array<i32>} : memref<8192xf32, #tpu.memory_space<vmem>>, vector<16xf32>,
      tpu.vector_store %arg7[%swap3A_129], %div3A {strides = array<i32>} : memref<8192xf32, #tpu.memory_space<vmem>>, vector<16xf32>,
      %add3A_131 = arith.constant 1 : i32
      %add3A_132 = arith.addi %mul3A_32, %add3A_131 : i32
      %mul3A_133 = arith.constant 64 : i32
      %mul3A_134 = arith.muli %add3A_132, %mul3A_133 : i32
      %add3A_135 = arith.constant 0 : i32
      %add3A_136 = arith.addi %mul3A_134, %add3A_135 : i32
      %get3A_137 = arith.index_cast %add3A_136 : i32 to index
      %get3A_138 = tpu.vector_load %arg5[%get3A_137] {strides = array<i32>} : memref<32768xf32, #tpu.memory_space<vmem>>, vector<16xf32>,
      %masked_sort3A_139 = arith.constant dense<true> : vector<16xi1>
      %masked_sort3A_140, %masked_sort3A_141, %masked_sort3A_142 = tpu.sort %get3A_138, %add3A_11 masked %masked_sort3A_139 {descending = true} : (vector<16xf32>, vector<16xi32>, vector<16xi1>) -> (vector<16xi1>, vector<16xf32>, vector<16xi32>)
      %mul3A_143 = arith.constant 64 : i32
      %mul3A_144 = arith.muli %add3A_132, %mul3A_143 : i32
      %add3A_145 = arith.constant 16 : i32
      %add3A_146 = arith.addi %mul3A_144, %add3A_145 : i32
      %get3A_147 = arith.index_cast %add3A_146 : i32 to index
      %get3A_148 = tpu.vector_load %arg5[%get3A_147] {strides = array<i32>} : memref<32768xf32, #tpu.memory_space<vmem>>, vector<16xf32>,
      %masked_sort3A_149 = arith.constant dense<true> : vector<16xi1>
      %masked_sort3A_150, %masked_sort3A_151, %masked_sort3A_152 = tpu.sort %get3A_148, %add3A_14 masked %masked_sort3A_149 {descending = true} : (vector<16xf32>, vector<16xi32>, vector<16xi1>) -> (vector<16xi1>, vector<16xf32>, vector<16xi32>)
      %mul3A_153 = arith.constant 64 : i32
      %mul3A_154 = arith.muli %add3A_132, %mul3A_153 : i32
      %add3A_155 = arith.constant 32 : i32
      %add3A_156 = arith.addi %mul3A_154, %add3A_155 : i32
      %get3A_157 = arith.index_cast %add3A_156 : i32 to index
      %get3A_158 = tpu.vector_load %arg5[%get3A_157] {strides = array<i32>} : memref<32768xf32, #tpu.memory_space<vmem>>, vector<16xf32>,
      %masked_sort3A_159 = arith.constant dense<true> : vector<16xi1>
      %masked_sort3A_160, %masked_sort3A_161, %masked_sort3A_162 = tpu.sort %get3A_158, %add3A_17 masked %masked_sort3A_159 {descending = true} : (vector<16xf32>, vector<16xi32>, vector<16xi1>) -> (vector<16xi1>, vector<16xf32>, vector<16xi32>)
      %mul3A_163 = arith.constant 64 : i32
      %mul3A_164 = arith.muli %add3A_132, %mul3A_163 : i32
      %add3A_165 = arith.constant 48 : i32
      %add3A_166 = arith.addi %mul3A_164, %add3A_165 : i32
      %get3A_167 = arith.index_cast %add3A_166 : i32 to index
      %get3A_168 = tpu.vector_load %arg5[%get3A_167] {strides = array<i32>} : memref<32768xf32, #tpu.memory_space<vmem>>, vector<16xf32>,
      %masked_sort3A_169 = arith.constant dense<true> : vector<16xi1>
      %masked_sort3A_170, %masked_sort3A_171, %masked_sort3A_172 = tpu.sort %get3A_168, %add3A_20 masked %masked_sort3A_169 {descending = true} : (vector<16xf32>, vector<16xi32>, vector<16xi1>) -> (vector<16xi1>, vector<16xf32>, vector<16xi32>)
      %rev3A_173 = arith.constant 15 : i32
      %rev3A_174 = vector.broadcast %rev3A_173 : i32 to vector<16xi32>
      %rev3A_175 = tpu.iota {dimensions = array<i32: 0>} : vector<16xi32>
      %rev3A_176 = arith.subi %rev3A_174, %rev3A_175 : vector<16xi32>
      %rev3A_177 = tpu.dynamic_gather %masked_sort3A_151[%rev3A_176] in [0] : vector<16xf32>, vector<16xi32> -> vector<16xf32>
      %rev3A_178 = arith.constant 15 : i32
      %rev3A_179 = vector.broadcast %rev3A_178 : i32 to vector<16xi32>
      %rev3A_180 = tpu.iota {dimensions = array<i32: 0>} : vector<16xi32>
      %rev3A_181 = arith.subi %rev3A_179, %rev3A_180 : vector<16xi32>
      %rev3A_182 = tpu.dynamic_gather %masked_sort3A_152[%rev3A_181] in [0] : vector<16xi32>, vector<16xi32> -> vector<16xi32>
      %ge3A_183 = arith.cmpf oge, %masked_sort3A_141, %rev3A_177 : vector<16xf32>
      %select_n3A_184 = arith.select %ge3A_183, %masked_sort3A_141, %rev3A_177 : vector<16xi1>, vector<16xf32>
      %select_n3A_185 = arith.select %ge3A_183, %masked_sort3A_142, %rev3A_182 : vector<16xi1>, vector<16xi32>
      %masked_sort3A_186 = arith.constant dense<true> : vector<16xi1>
      %masked_sort3A_187, %masked_sort3A_188, %masked_sort3A_189 = tpu.sort %select_n3A_184, %select_n3A_185 masked %masked_sort3A_186 {descending = true} : (vector<16xf32>, vector<16xi32>, vector<16xi1>) -> (vector<16xi1>, vector<16xf32>, vector<16xi32>)
      %rev3A_190 = arith.constant 15 : i32
      %rev3A_191 = vector.broadcast %rev3A_190 : i32 to vector<16xi32>
      %rev3A_192 = tpu.iota {dimensions = array<i32: 0>} : vector<16xi32>
      %rev3A_193 = arith.subi %rev3A_191, %rev3A_192 : vector<16xi32>
      %rev3A_194 = tpu.dynamic_gather %masked_sort3A_171[%rev3A_193] in [0] : vector<16xf32>, vector<16xi32> -> vector<16xf32>
      %rev3A_195 = arith.constant 15 : i32
      %rev3A_196 = vector.broadcast %rev3A_195 : i32 to vector<16xi32>
      %rev3A_197 = tpu.iota {dimensions = array<i32: 0>} : vector<16xi32>
      %rev3A_198 = arith.subi %rev3A_196, %rev3A_197 : vector<16xi32>
      %rev3A_199 = tpu.dynamic_gather %masked_sort3A_172[%rev3A_198] in [0] : vector<16xi32>, vector<16xi32> -> vector<16xi32>
      %ge3A_200 = arith.cmpf oge, %masked_sort3A_161, %rev3A_194 : vector<16xf32>
      %select_n3A_201 = arith.select %ge3A_200, %masked_sort3A_161, %rev3A_194 : vector<16xi1>, vector<16xf32>
      %select_n3A_202 = arith.select %ge3A_200, %masked_sort3A_162, %rev3A_199 : vector<16xi1>, vector<16xi32>
      %masked_sort3A_203 = arith.constant dense<true> : vector<16xi1>
      %masked_sort3A_204, %masked_sort3A_205, %masked_sort3A_206 = tpu.sort %select_n3A_201, %select_n3A_202 masked %masked_sort3A_203 {descending = true} : (vector<16xf32>, vector<16xi32>, vector<16xi1>) -> (vector<16xi1>, vector<16xf32>, vector<16xi32>)
      %rev3A_207 = arith.constant 15 : i32
      %rev3A_208 = vector.broadcast %rev3A_207 : i32 to vector<16xi32>
      %rev3A_209 = tpu.iota {dimensions = array<i32: 0>} : vector<16xi32>
      %rev3A_210 = arith.subi %rev3A_208, %rev3A_209 : vector<16xi32>
      %rev3A_211 = tpu.dynamic_gather %masked_sort3A_205[%rev3A_210] in [0] : vector<16xf32>, vector<16xi32> -> vector<16xf32>
      %rev3A_212 = arith.constant 15 : i32
      %rev3A_213 = vector.broadcast %rev3A_212 : i32 to vector<16xi32>
      %rev3A_214 = tpu.iota {dimensions = array<i32: 0>} : vector<16xi32>
      %rev3A_215 = arith.subi %rev3A_213, %rev3A_214 : vector<16xi32>
      %rev3A_216 = tpu.dynamic_gather %masked_sort3A_206[%rev3A_215] in [0] : vector<16xi32>, vector<16xi32> -> vector<16xi32>
      %ge3A_217 = arith.cmpf oge, %masked_sort3A_188, %rev3A_211 : vector<16xf32>
      %select_n3A_218 = arith.select %ge3A_217, %masked_sort3A_188, %rev3A_211 : vector<16xi1>, vector<16xf32>
      %select_n3A_219 = arith.select %ge3A_217, %masked_sort3A_189, %rev3A_216 : vector<16xi1>, vector<16xi32>
      %masked_sort3A_220 = arith.constant dense<true> : vector<16xi1>
      %masked_sort3A_221, %masked_sort3A_222, %masked_sort3A_223 = tpu.sort %select_n3A_218, %select_n3A_219 masked %masked_sort3A_220 {descending = true} : (vector<16xf32>, vector<16xi32>, vector<16xi1>) -> (vector<16xi1>, vector<16xf32>, vector<16xi32>)
      %jit3A_224 = arith.constant 0.000000e+00 : f32
      %broadcast_in_dim3A_225 = vector.broadcast %jit3A_224 : f32 to vector<16xf32>
      %select_n3A_226 = arith.select %lt3A_8, %masked_sort3A_222, %broadcast_in_dim3A_225 : vector<16xi1>, vector<16xf32>
      %reduce_sum3A_227 = arith.constant true
      %reduce_sum3A_228 = vector.broadcast %reduce_sum3A_227 : i1 to vector<16xi1>
      %reduce_sum3A_229 = tpu.scan <sum>, %select_n3A_226 masked %reduce_sum3A_228 : vector<16xf32>, vector<16xi1> -> vector<16xf32>
      %reduce_sum3A_230 = vector.extract %reduce_sum3A_229[15] : f32 from vector<16xf32>
      %broadcast_in_dim3A_231 = vector.broadcast %reduce_sum3A_230 : f32 to vector<16xf32>
      %div3A_232 = arith.divf %masked_sort3A_222, %broadcast_in_dim3A_231 : vector<16xf32>
      %mul3A_233 = arith.constant 16 : i32
      %mul3A_234 = arith.muli %add3A_132, %mul3A_233 : i32
      %swap3A_235 = arith.index_cast %mul3A_234 : i32 to index
      %swap3A_236 = tpu.vector_load %arg6[%swap3A_235] {strides = array<i32>} : memref<8192xi32, #tpu.memory_space<vmem>>, vector<16xi32>,
      tpu.vector_store %arg6[%swap3A_235], %masked_sort3A_223 {strides = array<i32>} : memref<8192xi32, #tpu.memory_space<vmem>>, vector<16xi32>,
      %mul3A_237 = arith.constant 16 : i32
      %mul3A_238 = arith.muli %add3A_132, %mul3A_237 : i32
      %swap3A_239 = arith.index_cast %mul3A_238 : i32 to index
      %swap3A_240 = tpu.vector_load %arg7[%swap3A_239] {strides = array<i32>} : memref<8192xf32, #tpu.memory_space<vmem>>, vector<16xf32>,
      tpu.vector_store %arg7[%swap3A_239], %div3A_232 {strides = array<i32>} : memref<8192xf32, #tpu.memory_space<vmem>>, vector<16xf32>,
      %add3A_241 = arith.constant 2 : i32
      %add3A_242 = arith.addi %mul3A_32, %add3A_241 : i32
      %mul3A_243 = arith.constant 64 : i32
      %mul3A_244 = arith.muli %add3A_242, %mul3A_243 : i32
      %add3A_245 = arith.constant 0 : i32
      %add3A_246 = arith.addi %mul3A_244, %add3A_245 : i32
      %get3A_247 = arith.index_cast %add3A_246 : i32 to index
      %get3A_248 = tpu.vector_load %arg5[%get3A_247] {strides = array<i32>} : memref<32768xf32, #tpu.memory_space<vmem>>, vector<16xf32>,
      %masked_sort3A_249 = arith.constant dense<true> : vector<16xi1>
      %masked_sort3A_250, %masked_sort3A_251, %masked_sort3A_252 = tpu.sort %get3A_248, %add3A_11 masked %masked_sort3A_249 {descending = true} : (vector<16xf32>, vector<16xi32>, vector<16xi1>) -> (vector<16xi1>, vector<16xf32>, vector<16xi32>)
      %mul3A_253 = arith.constant 64 : i32
      %mul3A_254 = arith.muli %add3A_242, %mul3A_253 : i32
      %add3A_255 = arith.constant 16 : i32
      %add3A_256 = arith.addi %mul3A_254, %add3A_255 : i32
      %get3A_257 = arith.index_cast %add3A_256 : i32 to index
      %get3A_258 = tpu.vector_load %arg5[%get3A_257] {strides = array<i32>} : memref<32768xf32, #tpu.memory_space<vmem>>, vector<16xf32>,
      %masked_sort3A_259 = arith.constant dense<true> : vector<16xi1>
      %masked_sort3A_260, %masked_sort3A_261, %masked_sort3A_262 = tpu.sort %get3A_258, %add3A_14 masked %masked_sort3A_259 {descending = true} : (vector<16xf32>, vector<16xi32>, vector<16xi1>) -> (vector<16xi1>, vector<16xf32>, vector<16xi32>)
      %mul3A_263 = arith.constant 64 : i32
      %mul3A_264 = arith.muli %add3A_242, %mul3A_263 : i32
      %add3A_265 = arith.constant 32 : i32
      %add3A_266 = arith.addi %mul3A_264, %add3A_265 : i32
      %get3A_267 = arith.index_cast %add3A_266 : i32 to index
      %get3A_268 = tpu.vector_load %arg5[%get3A_267] {strides = array<i32>} : memref<32768xf32, #tpu.memory_space<vmem>>, vector<16xf32>,
      %masked_sort3A_269 = arith.constant dense<true> : vector<16xi1>
      %masked_sort3A_270, %masked_sort3A_271, %masked_sort3A_272 = tpu.sort %get3A_268, %add3A_17 masked %masked_sort3A_269 {descending = true} : (vector<16xf32>, vector<16xi32>, vector<16xi1>) -> (vector<16xi1>, vector<16xf32>, vector<16xi32>)
      %mul3A_273 = arith.constant 64 : i32
      %mul3A_274 = arith.muli %add3A_242, %mul3A_273 : i32
      %add3A_275 = arith.constant 48 : i32
      %add3A_276 = arith.addi %mul3A_274, %add3A_275 : i32
      %get3A_277 = arith.index_cast %add3A_276 : i32 to index
      %get3A_278 = tpu.vector_load %arg5[%get3A_277] {strides = array<i32>} : memref<32768xf32, #tpu.memory_space<vmem>>, vector<16xf32>,
      %masked_sort3A_279 = arith.constant dense<true> : vector<16xi1>
      %masked_sort3A_280, %masked_sort3A_281, %masked_sort3A_282 = tpu.sort %get3A_278, %add3A_20 masked %masked_sort3A_279 {descending = true} : (vector<16xf32>, vector<16xi32>, vector<16xi1>) -> (vector<16xi1>, vector<16xf32>, vector<16xi32>)
      %rev3A_283 = arith.constant 15 : i32
      %rev3A_284 = vector.broadcast %rev3A_283 : i32 to vector<16xi32>
      %rev3A_285 = tpu.iota {dimensions = array<i32: 0>} : vector<16xi32>
      %rev3A_286 = arith.subi %rev3A_284, %rev3A_285 : vector<16xi32>
      %rev3A_287 = tpu.dynamic_gather %masked_sort3A_261[%rev3A_286] in [0] : vector<16xf32>, vector<16xi32> -> vector<16xf32>
      %rev3A_288 = arith.constant 15 : i32
      %rev3A_289 = vector.broadcast %rev3A_288 : i32 to vector<16xi32>
      %rev3A_290 = tpu.iota {dimensions = array<i32: 0>} : vector<16xi32>
      %rev3A_291 = arith.subi %rev3A_289, %rev3A_290 : vector<16xi32>
      %rev3A_292 = tpu.dynamic_gather %masked_sort3A_262[%rev3A_291] in [0] : vector<16xi32>, vector<16xi32> -> vector<16xi32>
      %ge3A_293 = arith.cmpf oge, %masked_sort3A_251, %rev3A_287 : vector<16xf32>
      %select_n3A_294 = arith.select %ge3A_293, %masked_sort3A_251, %rev3A_287 : vector<16xi1>, vector<16xf32>
      %select_n3A_295 = arith.select %ge3A_293, %masked_sort3A_252, %rev3A_292 : vector<16xi1>, vector<16xi32>
      %masked_sort3A_296 = arith.constant dense<true> : vector<16xi1>
      %masked_sort3A_297, %masked_sort3A_298, %masked_sort3A_299 = tpu.sort %select_n3A_294, %select_n3A_295 masked %masked_sort3A_296 {descending = true} : (vector<16xf32>, vector<16xi32>, vector<16xi1>) -> (vector<16xi1>, vector<16xf32>, vector<16xi32>)
      %rev3A_300 = arith.constant 15 : i32
      %rev3A_301 = vector.broadcast %rev3A_300 : i32 to vector<16xi32>
      %rev3A_302 = tpu.iota {dimensions = array<i32: 0>} : vector<16xi32>
      %rev3A_303 = arith.subi %rev3A_301, %rev3A_302 : vector<16xi32>
      %rev3A_304 = tpu.dynamic_gather %masked_sort3A_281[%rev3A_303] in [0] : vector<16xf32>, vector<16xi32> -> vector<16xf32>
      %rev3A_305 = arith.constant 15 : i32
      %rev3A_306 = vector.broadcast %rev3A_305 : i32 to vector<16xi32>
      %rev3A_307 = tpu.iota {dimensions = array<i32: 0>} : vector<16xi32>
      %rev3A_308 = arith.subi %rev3A_306, %rev3A_307 : vector<16xi32>
      %rev3A_309 = tpu.dynamic_gather %masked_sort3A_282[%rev3A_308] in [0] : vector<16xi32>, vector<16xi32> -> vector<16xi32>
      %ge3A_310 = arith.cmpf oge, %masked_sort3A_271, %rev3A_304 : vector<16xf32>
      %select_n3A_311 = arith.select %ge3A_310, %masked_sort3A_271, %rev3A_304 : vector<16xi1>, vector<16xf32>
      %select_n3A_312 = arith.select %ge3A_310, %masked_sort3A_272, %rev3A_309 : vector<16xi1>, vector<16xi32>
      %masked_sort3A_313 = arith.constant dense<true> : vector<16xi1>
      %masked_sort3A_314, %masked_sort3A_315, %masked_sort3A_316 = tpu.sort %select_n3A_311, %select_n3A_312 masked %masked_sort3A_313 {descending = true} : (vector<16xf32>, vector<16xi32>, vector<16xi1>) -> (vector<16xi1>, vector<16xf32>, vector<16xi32>)
      %rev3A_317 = arith.constant 15 : i32
      %rev3A_318 = vector.broadcast %rev3A_317 : i32 to vector<16xi32>
      %rev3A_319 = tpu.iota {dimensions = array<i32: 0>} : vector<16xi32>
      %rev3A_320 = arith.subi %rev3A_318, %rev3A_319 : vector<16xi32>
      %rev3A_321 = tpu.dynamic_gather %masked_sort3A_315[%rev3A_320] in [0] : vector<16xf32>, vector<16xi32> -> vector<16xf32>
      %rev3A_322 = arith.constant 15 : i32
      %rev3A_323 = vector.broadcast %rev3A_322 : i32 to vector<16xi32>
      %rev3A_324 = tpu.iota {dimensions = array<i32: 0>} : vector<16xi32>
      %rev3A_325 = arith.subi %rev3A_323, %rev3A_324 : vector<16xi32>
      %rev3A_326 = tpu.dynamic_gather %masked_sort3A_316[%rev3A_325] in [0] : vector<16xi32>, vector<16xi32> -> vector<16xi32>
      %ge3A_327 = arith.cmpf oge, %masked_sort3A_298, %rev3A_321 : vector<16xf32>
      %select_n3A_328 = arith.select %ge3A_327, %masked_sort3A_298, %rev3A_321 : vector<16xi1>, vector<16xf32>
      %select_n3A_329 = arith.select %ge3A_327, %masked_sort3A_299, %rev3A_326 : vector<16xi1>, vector<16xi32>
      %masked_sort3A_330 = arith.constant dense<true> : vector<16xi1>
      %masked_sort3A_331, %masked_sort3A_332, %masked_sort3A_333 = tpu.sort %select_n3A_328, %select_n3A_329 masked %masked_sort3A_330 {descending = true} : (vector<16xf32>, vector<16xi32>, vector<16xi1>) -> (vector<16xi1>, vector<16xf32>, vector<16xi32>)
      %jit3A_334 = arith.constant 0.000000e+00 : f32
      %broadcast_in_dim3A_335 = vector.broadcast %jit3A_334 : f32 to vector<16xf32>
      %select_n3A_336 = arith.select %lt3A_8, %masked_sort3A_332, %broadcast_in_dim3A_335 : vector<16xi1>, vector<16xf32>
      %reduce_sum3A_337 = arith.constant true
      %reduce_sum3A_338 = vector.broadcast %reduce_sum3A_337 : i1 to vector<16xi1>
      %reduce_sum3A_339 = tpu.scan <sum>, %select_n3A_336 masked %reduce_sum3A_338 : vector<16xf32>, vector<16xi1> -> vector<16xf32>
      %reduce_sum3A_340 = vector.extract %reduce_sum3A_339[15] : f32 from vector<16xf32>
      %broadcast_in_dim3A_341 = vector.broadcast %reduce_sum3A_340 : f32 to vector<16xf32>
      %div3A_342 = arith.divf %masked_sort3A_332, %broadcast_in_dim3A_341 : vector<16xf32>
      %mul3A_343 = arith.constant 16 : i32
      %mul3A_344 = arith.muli %add3A_242, %mul3A_343 : i32
      %swap3A_345 = arith.index_cast %mul3A_344 : i32 to index
      %swap3A_346 = tpu.vector_load %arg6[%swap3A_345] {strides = array<i32>} : memref<8192xi32, #tpu.memory_space<vmem>>, vector<16xi32>,
      tpu.vector_store %arg6[%swap3A_345], %masked_sort3A_333 {strides = array<i32>} : memref<8192xi32, #tpu.memory_space<vmem>>, vector<16xi32>,
      %mul3A_347 = arith.constant 16 : i32
      %mul3A_348 = arith.muli %add3A_242, %mul3A_347 : i32
      %swap3A_349 = arith.index_cast %mul3A_348 : i32 to index
      %swap3A_350 = tpu.vector_load %arg7[%swap3A_349] {strides = array<i32>} : memref<8192xf32, #tpu.memory_space<vmem>>, vector<16xf32>,
      tpu.vector_store %arg7[%swap3A_349], %div3A_342 {strides = array<i32>} : memref<8192xf32, #tpu.memory_space<vmem>>, vector<16xf32>,
      %add3A_351 = arith.constant 3 : i32
      %add3A_352 = arith.addi %mul3A_32, %add3A_351 : i32
      %mul3A_353 = arith.constant 64 : i32
      %mul3A_354 = arith.muli %add3A_352, %mul3A_353 : i32
      %add3A_355 = arith.constant 0 : i32
      %add3A_356 = arith.addi %mul3A_354, %add3A_355 : i32
      %get3A_357 = arith.index_cast %add3A_356 : i32 to index
      %get3A_358 = tpu.vector_load %arg5[%get3A_357] {strides = array<i32>} : memref<32768xf32, #tpu.memory_space<vmem>>, vector<16xf32>,
      %masked_sort3A_359 = arith.constant dense<true> : vector<16xi1>
      %masked_sort3A_360, %masked_sort3A_361, %masked_sort3A_362 = tpu.sort %get3A_358, %add3A_11 masked %masked_sort3A_359 {descending = true} : (vector<16xf32>, vector<16xi32>, vector<16xi1>) -> (vector<16xi1>, vector<16xf32>, vector<16xi32>)
      %mul3A_363 = arith.constant 64 : i32
      %mul3A_364 = arith.muli %add3A_352, %mul3A_363 : i32
      %add3A_365 = arith.constant 16 : i32
      %add3A_366 = arith.addi %mul3A_364, %add3A_365 : i32
      %get3A_367 = arith.index_cast %add3A_366 : i32 to index
      %get3A_368 = tpu.vector_load %arg5[%get3A_367] {strides = array<i32>} : memref<32768xf32, #tpu.memory_space<vmem>>, vector<16xf32>,
      %masked_sort3A_369 = arith.constant dense<true> : vector<16xi1>
      %masked_sort3A_370, %masked_sort3A_371, %masked_sort3A_372 = tpu.sort %get3A_368, %add3A_14 masked %masked_sort3A_369 {descending = true} : (vector<16xf32>, vector<16xi32>, vector<16xi1>) -> (vector<16xi1>, vector<16xf32>, vector<16xi32>)
      %mul3A_373 = arith.constant 64 : i32
      %mul3A_374 = arith.muli %add3A_352, %mul3A_373 : i32
      %add3A_375 = arith.constant 32 : i32
      %add3A_376 = arith.addi %mul3A_374, %add3A_375 : i32
      %get3A_377 = arith.index_cast %add3A_376 : i32 to index
      %get3A_378 = tpu.vector_load %arg5[%get3A_377] {strides = array<i32>} : memref<32768xf32, #tpu.memory_space<vmem>>, vector<16xf32>,
      %masked_sort3A_379 = arith.constant dense<true> : vector<16xi1>
      %masked_sort3A_380, %masked_sort3A_381, %masked_sort3A_382 = tpu.sort %get3A_378, %add3A_17 masked %masked_sort3A_379 {descending = true} : (vector<16xf32>, vector<16xi32>, vector<16xi1>) -> (vector<16xi1>, vector<16xf32>, vector<16xi32>)
      %mul3A_383 = arith.constant 64 : i32
      %mul3A_384 = arith.muli %add3A_352, %mul3A_383 : i32
      %add3A_385 = arith.constant 48 : i32
      %add3A_386 = arith.addi %mul3A_384, %add3A_385 : i32
      %get3A_387 = arith.index_cast %add3A_386 : i32 to index
      %get3A_388 = tpu.vector_load %arg5[%get3A_387] {strides = array<i32>} : memref<32768xf32, #tpu.memory_space<vmem>>, vector<16xf32>,
      %masked_sort3A_389 = arith.constant dense<true> : vector<16xi1>
      %masked_sort3A_390, %masked_sort3A_391, %masked_sort3A_392 = tpu.sort %get3A_388, %add3A_20 masked %masked_sort3A_389 {descending = true} : (vector<16xf32>, vector<16xi32>, vector<16xi1>) -> (vector<16xi1>, vector<16xf32>, vector<16xi32>)
      %rev3A_393 = arith.constant 15 : i32
      %rev3A_394 = vector.broadcast %rev3A_393 : i32 to vector<16xi32>
      %rev3A_395 = tpu.iota {dimensions = array<i32: 0>} : vector<16xi32>
      %rev3A_396 = arith.subi %rev3A_394, %rev3A_395 : vector<16xi32>
      %rev3A_397 = tpu.dynamic_gather %masked_sort3A_371[%rev3A_396] in [0] : vector<16xf32>, vector<16xi32> -> vector<16xf32>
      %rev3A_398 = arith.constant 15 : i32
      %rev3A_399 = vector.broadcast %rev3A_398 : i32 to vector<16xi32>
      %rev3A_400 = tpu.iota {dimensions = array<i32: 0>} : vector<16xi32>
      %rev3A_401 = arith.subi %rev3A_399, %rev3A_400 : vector<16xi32>
      %rev3A_402 = tpu.dynamic_gather %masked_sort3A_372[%rev3A_401] in [0] : vector<16xi32>, vector<16xi32> -> vector<16xi32>
      %ge3A_403 = arith.cmpf oge, %masked_sort3A_361, %rev3A_397 : vector<16xf32>
      %select_n3A_404 = arith.select %ge3A_403, %masked_sort3A_361, %rev3A_397 : vector<16xi1>, vector<16xf32>
      %select_n3A_405 = arith.select %ge3A_403, %masked_sort3A_362, %rev3A_402 : vector<16xi1>, vector<16xi32>
      %masked_sort3A_406 = arith.constant dense<true> : vector<16xi1>
      %masked_sort3A_407, %masked_sort3A_408, %masked_sort3A_409 = tpu.sort %select_n3A_404, %select_n3A_405 masked %masked_sort3A_406 {descending = true} : (vector<16xf32>, vector<16xi32>, vector<16xi1>) -> (vector<16xi1>, vector<16xf32>, vector<16xi32>)
      %rev3A_410 = arith.constant 15 : i32
      %rev3A_411 = vector.broadcast %rev3A_410 : i32 to vector<16xi32>
      %rev3A_412 = tpu.iota {dimensions = array<i32: 0>} : vector<16xi32>
      %rev3A_413 = arith.subi %rev3A_411, %rev3A_412 : vector<16xi32>
      %rev3A_414 = tpu.dynamic_gather %masked_sort3A_391[%rev3A_413] in [0] : vector<16xf32>, vector<16xi32> -> vector<16xf32>
      %rev3A_415 = arith.constant 15 : i32
      %rev3A_416 = vector.broadcast %rev3A_415 : i32 to vector<16xi32>
      %rev3A_417 = tpu.iota {dimensions = array<i32: 0>} : vector<16xi32>
      %rev3A_418 = arith.subi %rev3A_416, %rev3A_417 : vector<16xi32>
      %rev3A_419 = tpu.dynamic_gather %masked_sort3A_392[%rev3A_418] in [0] : vector<16xi32>, vector<16xi32> -> vector<16xi32>
      %ge3A_420 = arith.cmpf oge, %masked_sort3A_381, %rev3A_414 : vector<16xf32>
      %select_n3A_421 = arith.select %ge3A_420, %masked_sort3A_381, %rev3A_414 : vector<16xi1>, vector<16xf32>
      %select_n3A_422 = arith.select %ge3A_420, %masked_sort3A_382, %rev3A_419 : vector<16xi1>, vector<16xi32>
      %masked_sort3A_423 = arith.constant dense<true> : vector<16xi1>
      %masked_sort3A_424, %masked_sort3A_425, %masked_sort3A_426 = tpu.sort %select_n3A_421, %select_n3A_422 masked %masked_sort3A_423 {descending = true} : (vector<16xf32>, vector<16xi32>, vector<16xi1>) -> (vector<16xi1>, vector<16xf32>, vector<16xi32>)
      %rev3A_427 = arith.constant 15 : i32
      %rev3A_428 = vector.broadcast %rev3A_427 : i32 to vector<16xi32>
      %rev3A_429 = tpu.iota {dimensions = array<i32: 0>} : vector<16xi32>
      %rev3A_430 = arith.subi %rev3A_428, %rev3A_429 : vector<16xi32>
      %rev3A_431 = tpu.dynamic_gather %masked_sort3A_425[%rev3A_430] in [0] : vector<16xf32>, vector<16xi32> -> vector<16xf32>
      %rev3A_432 = arith.constant 15 : i32
      %rev3A_433 = vector.broadcast %rev3A_432 : i32 to vector<16xi32>
      %rev3A_434 = tpu.iota {dimensions = array<i32: 0>} : vector<16xi32>
      %rev3A_435 = arith.subi %rev3A_433, %rev3A_434 : vector<16xi32>
      %rev3A_436 = tpu.dynamic_gather %masked_sort3A_426[%rev3A_435] in [0] : vector<16xi32>, vector<16xi32> -> vector<16xi32>
      %ge3A_437 = arith.cmpf oge, %masked_sort3A_408, %rev3A_431 : vector<16xf32>
      %select_n3A_438 = arith.select %ge3A_437, %masked_sort3A_408, %rev3A_431 : vector<16xi1>, vector<16xf32>
      %select_n3A_439 = arith.select %ge3A_437, %masked_sort3A_409, %rev3A_436 : vector<16xi1>, vector<16xi32>
      %masked_sort3A_440 = arith.constant dense<true> : vector<16xi1>
      %masked_sort3A_441, %masked_sort3A_442, %masked_sort3A_443 = tpu.sort %select_n3A_438, %select_n3A_439 masked %masked_sort3A_440 {descending = true} : (vector<16xf32>, vector<16xi32>, vector<16xi1>) -> (vector<16xi1>, vector<16xf32>, vector<16xi32>)
      %jit3A_444 = arith.constant 0.000000e+00 : f32
      %broadcast_in_dim3A_445 = vector.broadcast %jit3A_444 : f32 to vector<16xf32>
      %select_n3A_446 = arith.select %lt3A_8, %masked_sort3A_442, %broadcast_in_dim3A_445 : vector<16xi1>, vector<16xf32>
      %reduce_sum3A_447 = arith.constant true
      %reduce_sum3A_448 = vector.broadcast %reduce_sum3A_447 : i1 to vector<16xi1>
      %reduce_sum3A_449 = tpu.scan <sum>, %select_n3A_446 masked %reduce_sum3A_448 : vector<16xf32>, vector<16xi1> -> vector<16xf32>
      %reduce_sum3A_450 = vector.extract %reduce_sum3A_449[15] : f32 from vector<16xf32>
      %broadcast_in_dim3A_451 = vector.broadcast %reduce_sum3A_450 : f32 to vector<16xf32>
      %div3A_452 = arith.divf %masked_sort3A_442, %broadcast_in_dim3A_451 : vector<16xf32>
      %mul3A_453 = arith.constant 16 : i32
      %mul3A_454 = arith.muli %add3A_352, %mul3A_453 : i32
      %swap3A_455 = arith.index_cast %mul3A_454 : i32 to index
      %swap3A_456 = tpu.vector_load %arg6[%swap3A_455] {strides = array<i32>} : memref<8192xi32, #tpu.memory_space<vmem>>, vector<16xi32>,
      tpu.vector_store %arg6[%swap3A_455], %masked_sort3A_443 {strides = array<i32>} : memref<8192xi32, #tpu.memory_space<vmem>>, vector<16xi32>,
      %mul3A_457 = arith.constant 16 : i32
      %mul3A_458 = arith.muli %add3A_352, %mul3A_457 : i32
      %swap3A_459 = arith.index_cast %mul3A_458 : i32 to index
      %swap3A_460 = tpu.vector_load %arg7[%swap3A_459] {strides = array<i32>} : memref<8192xf32, #tpu.memory_space<vmem>>, vector<16xf32>,
      tpu.vector_store %arg7[%swap3A_459], %div3A_452 {strides = array<i32>} : memref<8192xf32, #tpu.memory_space<vmem>>, vector<16xf32>,
    }
    %scan3A_25 = arith.constant 128 : i32
    %mul3A_26 = arith.constant 16 : i32
    %mul3A_27 = arith.muli %mul3A_2, %mul3A_26 : i32
    "tpu.region"() ({
      %run_scoped3A = tpu.sem_alloc : memref<!tpu.dma_semaphore, #tpu.memory_space<semaphore_mem>>
      %dma_start3A_30 = tpu.memref_slice %arg3[%mul3A_27] : memref<262144xi32, #tpu.memory_space<hbm>> -> memref<8192xi32, #tpu.memory_space<hbm>>
      %dma_start3A_31 = tpu.memref_slice %arg3[%mul3A_27] : memref<262144xi32, #tpu.memory_space<hbm>> -> memref<8192xi32, #tpu.memory_space<hbm>>
      tpu.enqueue_dma source(%arg6 : memref<8192xi32, #tpu.memory_space<vmem>>) target(%dma_start3A_31 : memref<8192xi32, #tpu.memory_space<hbm>>) target_semaphore(%run_scoped3A : memref<!tpu.dma_semaphore, #tpu.memory_space<semaphore_mem>>)
      %dma_wait3A_32 = tpu.memref_slice %arg3[%mul3A_27] : memref<262144xi32, #tpu.memory_space<hbm>> -> memref<8192xi32, #tpu.memory_space<hbm>>
      %dma_wait3A_33 = tpu.memref_slice %arg3[%mul3A_27] : memref<262144xi32, #tpu.memory_space<hbm>> -> memref<8192xi32, #tpu.memory_space<hbm>>
      tpu.wait_dma2 semaphore(%run_scoped3A : memref<!tpu.dma_semaphore, #tpu.memory_space<semaphore_mem>>) src(%arg6 : memref<8192xi32, #tpu.memory_space<vmem>>) dst(%dma_wait3A_33 : memref<8192xi32, #tpu.memory_space<hbm>>)
      tpu.yield
    }) : () -> ()
    %mul3A_28 = arith.constant 16 : i32
    %mul3A_29 = arith.muli %mul3A_2, %mul3A_28 : i32
    "tpu.region"() ({
      %run_scoped3A = tpu.sem_alloc : memref<!tpu.dma_semaphore, #tpu.memory_space<semaphore_mem>>
      %dma_start3A_30 = tpu.memref_slice %arg4[%mul3A_29] : memref<262144xf32, #tpu.memory_space<hbm>> -> memref<8192xf32, #tpu.memory_space<hbm>>
      %dma_start3A_31 = tpu.memref_slice %arg4[%mul3A_29] : memref<262144xf32, #tpu.memory_space<hbm>> -> memref<8192xf32, #tpu.memory_space<hbm>>
      tpu.enqueue_dma source(%arg7 : memref<8192xf32, #tpu.memory_space<vmem>>) target(%dma_start3A_31 : memref<8192xf32, #tpu.memory_space<hbm>>) target_semaphore(%run_scoped3A : memref<!tpu.dma_semaphore, #tpu.memory_space<semaphore_mem>>)
      %dma_wait3A_32 = tpu.memref_slice %arg4[%mul3A_29] : memref<262144xf32, #tpu.memory_space<hbm>> -> memref<8192xf32, #tpu.memory_space<hbm>>
      %dma_wait3A_33 = tpu.memref_slice %arg4[%mul3A_29] : memref<262144xf32, #tpu.memory_space<hbm>> -> memref<8192xf32, #tpu.memory_space<hbm>>
      tpu.wait_dma2 semaphore(%run_scoped3A : memref<!tpu.dma_semaphore, #tpu.memory_space<semaphore_mem>>) src(%arg7 : memref<8192xf32, #tpu.memory_space<vmem>>) dst(%dma_wait3A_33 : memref<8192xf32, #tpu.memory_space<hbm>>)
      tpu.yield
    }) : () -> ()
    return
  }
}

module attributes {stable_mosaic.version = 14 : i64} {
  func.func @_tc_body(%arg0: i32, %arg1: memref<1024x4096xf32, #tpu.memory_space<vmem>>, %arg2: memref<64x4096xf32, #tpu.memory_space<vmem>>, %arg3: memref<1024x64xf32, #tpu.memory_space<vmem>>, %arg4: memref<1024x64xf32, #tpu.memory_space<vmem>>) attributes {dimension_semantics = [#tpu.dimension_semantics<arbitrary>], iteration_bounds = array<i64: 16>, scalar_prefetch = 0 : i64, scratch_operands = 0 : i64, tpu.core_type = #tpu.core_type<tc>, window_params = [{transform_indices = @transform_0, window_bounds = array<i64: 1024, 4096>}, {pipeline_mode = #tpu.pipeline_mode<synchronous>, transform_indices = @transform_1, window_bounds = array<i64: 64, 4096>}, {transform_indices = @transform_2, window_bounds = array<i64: 1024, 64>}, {transform_indices = @transform_3, window_bounds = array<i64: 1024, 64>}]} {
    %get3A = arith.constant 0 : index
    %get3A_0 = arith.constant 0 : index
    %get3A_1 = vector.load %arg1[%get3A, %get3A_0] : memref<1024x4096xf32, #tpu.memory_space<vmem>>, vector<1024x4096xf32>
    %get3A_2 = arith.constant 0 : index
    %get3A_3 = arith.constant 0 : index
    %get3A_4 = vector.load %arg2[%get3A_2, %get3A_3] : memref<64x4096xf32, #tpu.memory_space<vmem>>, vector<64x4096xf32>
    %dot_general3A = arith.constant dense<0.000000e+00> : vector<1024x64xf32>
    %dot_general3A_5 = tpu.matmul %get3A_1, %get3A_4, %dot_general3A {dimension_numbers = #tpu.dot_dimension_numbers<[1], [1], [0], [0], [0, 0, 1, 0], [], []>, transpose_lhs_hint = false} : vector<1024x4096xf32>, vector<64x4096xf32>, vector<1024x64xf32> -> vector<1024x64xf32>
    %swap3A = arith.constant 0 : index
    %swap3A_6 = arith.constant 0 : index
    %swap3A_7 = vector.load %arg4[%swap3A, %swap3A_6] : memref<1024x64xf32, #tpu.memory_space<vmem>>, vector<1024x64xf32>
    tpu.vector_store %arg4[%swap3A, %swap3A_6], %dot_general3A_5 {strides = array<i32>} : memref<1024x64xf32, #tpu.memory_space<vmem>>, vector<1024x64xf32>,
    %transpose3A = tpu.transpose %dot_general3A_5, [1, 0] : vector<1024x64xf32> -> vector<64x1024xf32>
    %reduce_max3A = arith.constant dense<0xFF800000> : vector<1024xf32>
    %reduce_max3A_8 = vector.multi_reduction <maximumf>, %transpose3A, %reduce_max3A [0] : vector<64x1024xf32> to vector<1024xf32>
    %broadcast_in_dim3A = vector.shape_cast %reduce_max3A_8 : vector<1024xf32> to vector<1x1024xf32>
    %sub3A = vector.broadcast %broadcast_in_dim3A : vector<1x1024xf32> to vector<64x1024xf32>
    %sub3A_9 = arith.subf %transpose3A, %sub3A : vector<64x1024xf32>
    %exp3A = math.exp %sub3A_9 : vector<64x1024xf32>
    %reduce_sum3A = arith.constant dense<0.000000e+00> : vector<1024xf32>
    %reduce_sum3A_10 = vector.multi_reduction <add>, %exp3A, %reduce_sum3A [0] : vector<64x1024xf32> to vector<1024xf32>
    %broadcast_in_dim3A_11 = vector.shape_cast %reduce_sum3A_10 : vector<1024xf32> to vector<1x1024xf32>
    %div3A = vector.broadcast %broadcast_in_dim3A_11 : vector<1x1024xf32> to vector<64x1024xf32>
    %div3A_12 = arith.divf %exp3A, %div3A : vector<64x1024xf32>
    %transpose3A_13 = tpu.transpose %div3A_12, [1, 0] : vector<64x1024xf32> -> vector<1024x64xf32>
    %swap3A_14 = arith.constant 0 : index
    %swap3A_15 = arith.constant 0 : index
    %swap3A_16 = vector.load %arg3[%swap3A_14, %swap3A_15] : memref<1024x64xf32, #tpu.memory_space<vmem>>, vector<1024x64xf32>
    tpu.vector_store %arg3[%swap3A_14, %swap3A_15], %transpose3A_13 {strides = array<i32>} : memref<1024x64xf32, #tpu.memory_space<vmem>>, vector<1024x64xf32>,
    return
  }
  func.func @transform_0(%arg0: i32) -> (i32, i32) {
    %add3A = arith.constant 16 : i32
    %add3A_0 = arith.addi %arg0, %add3A : i32
    %c0_i32 = arith.constant 0 : i32
    %c0_i32_1 = arith.constant 0 : i32
    return %add3A_0, %c0_i32 : i32, i32
  }
  func.func @transform_1(%arg0: i32) -> (i32, i32) {
    %c0_i32 = arith.constant 0 : i32
    %c0_i32_0 = arith.constant 0 : i32
    %c0_i32_1 = arith.constant 0 : i32
    return %c0_i32, %c0_i32_0 : i32, i32
  }
  func.func @transform_2(%arg0: i32) -> (i32, i32) {
    %c0_i32 = arith.constant 0 : i32
    %c0_i32_0 = arith.constant 0 : i32
    return %arg0, %c0_i32 : i32, i32
  }
  func.func @transform_3(%arg0: i32) -> (i32, i32) {
    %c0_i32 = arith.constant 0 : i32
    %c0_i32_0 = arith.constant 0 : i32
    return %arg0, %c0_i32 : i32, i32
  }
}

module attributes {stable_mosaic.version = 14 : i64} {
  func.func @_tc_body(%arg0: i32, %arg1: memref<1024x4096xf32, #tpu.memory_space<vmem>>, %arg2: memref<64x4096xf32, #tpu.memory_space<vmem>>, %arg3: memref<1024x64xf32, #tpu.memory_space<vmem>>, %arg4: memref<1024x64xf32, #tpu.memory_space<vmem>>) attributes {dimension_semantics = [#tpu.dimension_semantics<arbitrary>], iteration_bounds = array<i64: 16>, scalar_prefetch = 0 : i64, scratch_operands = 0 : i64, tpu.core_type = #tpu.core_type<tc>, window_params = [{transform_indices = @transform_0, window_bounds = array<i64: 1024, 4096>}, {pipeline_mode = #tpu.pipeline_mode<synchronous>, transform_indices = @transform_1, window_bounds = array<i64: 64, 4096>}, {transform_indices = @transform_2, window_bounds = array<i64: 1024, 64>}, {transform_indices = @transform_3, window_bounds = array<i64: 1024, 64>}]} {
    %get3A = arith.constant 0 : index
    %get3A_0 = arith.constant 0 : index
    %get3A_1 = vector.load %arg1[%get3A, %get3A_0] : memref<1024x4096xf32, #tpu.memory_space<vmem>>, vector<1024x4096xf32>
    %get3A_2 = arith.constant 0 : index
    %get3A_3 = arith.constant 0 : index
    %get3A_4 = vector.load %arg2[%get3A_2, %get3A_3] : memref<64x4096xf32, #tpu.memory_space<vmem>>, vector<64x4096xf32>
    %dot_general3A = arith.constant dense<0.000000e+00> : vector<1024x64xf32>
    %dot_general3A_5 = tpu.matmul %get3A_1, %get3A_4, %dot_general3A {dimension_numbers = #tpu.dot_dimension_numbers<[1], [1], [0], [0], [0, 0, 1, 0], [], []>, transpose_lhs_hint = false} : vector<1024x4096xf32>, vector<64x4096xf32>, vector<1024x64xf32> -> vector<1024x64xf32>
    %swap3A = arith.constant 0 : index
    %swap3A_6 = arith.constant 0 : index
    %swap3A_7 = vector.load %arg4[%swap3A, %swap3A_6] : memref<1024x64xf32, #tpu.memory_space<vmem>>, vector<1024x64xf32>
    tpu.vector_store %arg4[%swap3A, %swap3A_6], %dot_general3A_5 {strides = array<i32>} : memref<1024x64xf32, #tpu.memory_space<vmem>>, vector<1024x64xf32>,
    %transpose3A = tpu.transpose %dot_general3A_5, [1, 0] : vector<1024x64xf32> -> vector<64x1024xf32>
    %reduce_max3A = arith.constant dense<0xFF800000> : vector<1024xf32>
    %reduce_max3A_8 = vector.multi_reduction <maximumf>, %transpose3A, %reduce_max3A [0] : vector<64x1024xf32> to vector<1024xf32>
    %broadcast_in_dim3A = vector.shape_cast %reduce_max3A_8 : vector<1024xf32> to vector<1x1024xf32>
    %sub3A = vector.broadcast %broadcast_in_dim3A : vector<1x1024xf32> to vector<64x1024xf32>
    %sub3A_9 = arith.subf %transpose3A, %sub3A : vector<64x1024xf32>
    %exp3A = math.exp %sub3A_9 : vector<64x1024xf32>
    %reduce_sum3A = arith.constant dense<0.000000e+00> : vector<1024xf32>
    %reduce_sum3A_10 = vector.multi_reduction <add>, %exp3A, %reduce_sum3A [0] : vector<64x1024xf32> to vector<1024xf32>
    %broadcast_in_dim3A_11 = vector.shape_cast %reduce_sum3A_10 : vector<1024xf32> to vector<1x1024xf32>
    %div3A = vector.broadcast %broadcast_in_dim3A_11 : vector<1x1024xf32> to vector<64x1024xf32>
    %div3A_12 = arith.divf %exp3A, %div3A : vector<64x1024xf32>
    %transpose3A_13 = tpu.transpose %div3A_12, [1, 0] : vector<64x1024xf32> -> vector<1024x64xf32>
    %swap3A_14 = arith.constant 0 : index
    %swap3A_15 = arith.constant 0 : index
    %swap3A_16 = vector.load %arg3[%swap3A_14, %swap3A_15] : memref<1024x64xf32, #tpu.memory_space<vmem>>, vector<1024x64xf32>
    tpu.vector_store %arg3[%swap3A_14, %swap3A_15], %transpose3A_13 {strides = array<i32>} : memref<1024x64xf32, #tpu.memory_space<vmem>>, vector<1024x64xf32>,
    return
  }
  func.func @transform_0(%arg0: i32) -> (i32, i32) {
    %add3A = arith.constant 0 : i32
    %add3A_0 = arith.addi %arg0, %add3A : i32
    %c0_i32 = arith.constant 0 : i32
    %c0_i32_1 = arith.constant 0 : i32
    return %add3A_0, %c0_i32 : i32, i32
  }
  func.func @transform_1(%arg0: i32) -> (i32, i32) {
    %c0_i32 = arith.constant 0 : i32
    %c0_i32_0 = arith.constant 0 : i32
    %c0_i32_1 = arith.constant 0 : i32
    return %c0_i32, %c0_i32_0 : i32, i32
  }
  func.func @transform_2(%arg0: i32) -> (i32, i32) {
    %c0_i32 = arith.constant 0 : i32
    %c0_i32_0 = arith.constant 0 : i32
    return %arg0, %c0_i32 : i32, i32
  }
  func.func @transform_3(%arg0: i32) -> (i32, i32) {
    %c0_i32 = arith.constant 0 : i32
    %c0_i32_0 = arith.constant 0 : i32
    return %arg0, %c0_i32 : i32, i32
  }
}

</mosaic_0001>

<sc_bundles>
// kernel: kernel.6.cloned.1.call-start
scs
__scs_entry_jumppad:
0x0: {  	(pc) =	sbr.rel $0x88, $3  }
0x1: {  	(tag) =	ssettag $0x0;
	lr =	simm.s32 $0x1  }
0x2: {  	[smem:$0x3F9F] =	sst lr;
	_ =	strace $0xD0000000  }
0x3: {  	_ = 	snop  }
0x4: {  	_ = 	snop  }
0x5: {  	_ = 	snop  }
0x6: {  	_ = 	snop  }
0x7: {  	_ = 	snop  }
__scs_overlays_trampoline_lowered:
0x8: {  	[smem:$0x3FAE] =	sst s0  }
0x9: {  	[smem:$0x3FAF] =	sst s1  }
0xa: {  	[smem:$0x3FB0] =	sst s2  }
0xb: {  	[smem:$0x3FB1] =	sst s3  }
0xc: {  	[smem:$0x3FB2] =	sst s4  }
0xd: {  	[smem:$0x3FB3] =	sst s5  }
0xe: {  	[smem:$0x3FB4] =	sst s6  }
0xf: {  	[smem:$0x3FB5] =	sst s7  }
0x10: {  	[smem:$0x3FB6] =	sst s8  }
0x11: {  	[smem:$0x3FB7] =	sst s9;
	s0 =	simm.s32 @!p0 $0x0  }
0x12: {  	s1 =	sld [smem:$0x3F9D];
	s0 =	simm.s32 @p0 $0x1  }
0x13: {  	[smem:$0x3FB8] =	sst s0;
	s0 =	simm.s32 @!p1 $0x0  }
0x14: {  	s2 =	sld [smem:$0x3F9C];
	s0 =	simm.s32 @p1 $0x1  }
0x15: {  	[smem:$0x3FB9] =	sst s0;
	s0 =	simm.s32 @!p2 $0x0  }
0x16: {  	s3 =	sld [smem:$0x3FDB];
	s0 =	simm.s32 @p2 $0x1  }
0x17: {  	s4 =	simm.s32 $0x1BF5;
	[smem:$0x3FBB] =	sst s0  }
0x18: {  	s0 =	sld [smem:$0x3F9E];
	_ =	swait.ge [sflag:s4], $0x0  }
0x19: {  	s7 =	sld [smem:$0x3F9F]  }
0x1a: {  	s8 =	sadd.s32 $0xFFFFE003, lr  }
0x1b: {  	s9 =	sadd.s32 $0xFFFFFEF7, lr;
	s5 =	simm.s32 $0xFFFFFFFF;
	p2 =	slt.u32 s8, $0xFFFFF086  }
0x1c: {  	p1 =	slt.u32 s9, $0xF7A;
	s5 =	simm.s32 @!p2 $0x0  }
0x1d: {  	s5 =	simm.s32 @p1 $0x1;
	p0 =	seq.s32 s7, s2  }
0x1e: {  	s7 =	smul.u32 @!p0 $0xF7A, s2;
	p2 =	seq.s32 @!p0 s5, $0x0  }
0x1f: {  	s9 =	smul.u32 $0xF7A, s1;
	s8 =	simm.s32 @!p0 $0x1BF5;
	p2 =	por !p2, p0  }
0x20: {  	[sflag:s8] =	ssyncset.s32 @!p0 $0xFFFFF086;
	s6 =	sadd.s32 @!p0 s3, s7;
	s7 =	simm.s32 @!p0 $0x108  }
0x21: {  	s3 =	sadd.s32 s3, s9;
	s6 =	sadd.s32 @!p0 $0x88, s6;
	s7 =	simm.s32 @p2 $0x1082  }
0x22: {  	[simem:s7], [sflag:s8] =	dma.local @!p0 [hbm:s6], $0xF7A  }
0x23: {  	s9 =	sor.u32 $0xD0000000, s2;
	s6 =	simm.s32 $0x108;
	_ =	swait.ge @!p0 [sflag:s8], $0x0  }
0x24: {  	s3 =	sadd.s32 $0x88, s3;
	s6 =	simm.s32 @!p1 $0x1082;
	[sflag:s4] =	ssyncset.s32 $0xFFFFF086  }
0x25: {  	[simem:s6], [sflag:s4] =	dma.local [hbm:s3], $0xF7A  }
0x26: {  	[smem:$0x3F9F] =	sst s1;
	(tag) =	ssettag s2;
	_ =	strace s9  }
0x27: {  	s1 =	sld [smem:$0x3FAF]  }
0x28: {  	s2 =	sld [smem:$0x3FB0]  }
0x29: {  	s4 =	sld [smem:$0x3FB2]  }
0x2a: {  	p0 =	seq.s32 s5, $0x0;
	s5 =	sld [smem:$0x3FB3]  }
0x2b: {  	s6 =	sld [smem:$0x3FB4]  }
0x2c: {  	s7 =	sld [smem:$0x3FB5]  }
0x2d: {  	s3 =	simm.s32 $0x108;
	s8 =	sld [smem:$0x3FB6]  }
0x2e: {  	s3 =	simm.s32 @!p0 $0x1082;
	s9 =	sld [smem:$0x3FB7]  }
0x2f: {  	lr =	sadd.s32 s0, s3;
	s0 =	sld [smem:$0x3FAE]  }
0x30: {  	s3 =	sld [smem:$0x3FB1]  }
0x31: {  	[smem:$0x3FBA] =	sst s10  }
0x32: {  	s10 =	sld [smem:$0x3FB8];
	_ =	sdelay $0x3  }
0x33: {  	p0 =	seq.s32 s10, $0x1;
	s10 =	sld [smem:$0x3FBA];
	_ =	sdelay $0x3  }
0x34: {  	[smem:$0x3FBA] =	sst s10  }
0x35: {  	s10 =	sld [smem:$0x3FB9];
	_ =	sdelay $0x3  }
0x36: {  	p1 =	seq.s32 s10, $0x1;
	s10 =	sld [smem:$0x3FBA];
	_ =	sdelay $0x3  }
0x37: {  	[smem:$0x3FBA] =	sst s10  }
0x38: {  	s10 =	sld [smem:$0x3FBB]  }
0x39: {  	_ = 	snop;
	(pc) =	sbr.ind lr, $3  }
0x3a: {  	_ = 	snop  }
0x3b: {  	_ = 	snop  }
0x3c: {  	p2 =	seq.s32 s10, $0x1;
	s10 =	sld [smem:$0x3FBA]  }
0x3d: {  	_ =	shalt  }
0x3e: {  	_ =	shalt  }
0x3f: {  	_ =	shalt  }
0x40: {  	_ =	shalt  }
0x41: {  	_ =	shalt  }
0x42: {  	_ =	shalt  }
0x43: {  	_ =	shalt  }
0x44: {  	_ =	shalt  }
0x45: {  	_ =	shalt  }
0x46: {  	_ =	shalt  }
0x47: {  	_ =	shalt  }
0x48: {  	_ =	shalt  }
0x49: {  	_ =	shalt  }
0x4a: {  	_ =	shalt  }
0x4b: {  	_ =	shalt  }
0x4c: {  	_ =	shalt  }
0x4d: {  	_ =	shalt  }
0x4e: {  	_ =	shalt  }
0x4f: {  	_ =	shalt  }
0x50: {  	_ =	shalt  }
0x51: {  	_ =	shalt  }
0x52: {  	_ =	shalt  }
0x53: {  	_ =	shalt  }
0x54: {  	_ =	shalt  }
0x55: {  	_ =	shalt  }
0x56: {  	_ =	shalt  }
0x57: {  	_ =	shalt  }
0x58: {  	_ =	shalt  }
0x59: {  	_ =	shalt  }
0x5a: {  	_ =	shalt  }
0x5b: {  	_ =	shalt  }
0x5c: {  	_ =	shalt  }
0x5d: {  	_ =	shalt  }
0x5e: {  	_ =	shalt  }
0x5f: {  	_ =	shalt  }
0x60: {  	_ =	shalt  }
0x61: {  	_ =	shalt  }
0x62: {  	_ =	shalt  }
0x63: {  	_ =	shalt  }
0x64: {  	_ =	shalt  }
0x65: {  	_ =	shalt  }
0x66: {  	_ =	shalt  }
0x67: {  	_ =	shalt  }
0x68: {  	_ =	shalt  }
0x69: {  	_ =	shalt  }
0x6a: {  	_ =	shalt  }
0x6b: {  	_ =	shalt  }
0x6c: {  	_ =	shalt  }
0x6d: {  	_ =	shalt  }
0x6e: {  	_ =	shalt  }
0x6f: {  	_ =	shalt  }
0x70: {  	_ =	shalt  }
0x71: {  	_ =	shalt  }
0x72: {  	_ =	shalt  }
0x73: {  	_ =	shalt  }
0x74: {  	_ =	shalt  }
0x75: {  	_ =	shalt  }
0x76: {  	_ =	shalt  }
0x77: {  	_ =	shalt  }
0x78: {  	_ =	shalt  }
0x79: {  	_ =	shalt  }
0x7a: {  	_ =	shalt  }
0x7b: {  	_ =	shalt  }
0x7c: {  	_ =	shalt  }
0x7d: {  	_ =	shalt  }
0x7e: {  	_ =	shalt  }
0x7f: {  	_ =	shalt  }
0x80: {  	_ =	shalt  }
0x81: {  	_ =	shalt  }
0x82: {  	_ =	shalt  }
0x83: {  	_ =	shalt  }
0x84: {  	_ =	shalt  }
0x85: {  	_ =	shalt  }
0x86: {  	_ =	shalt  }
0x87: {  	_ =	shalt  }
.Lfunc_end0:
.L_simem_size_0:
called_computation_lowered:
.L_overlay_start_0:
0x88: {  	s2 =	sld [smem:$0x3FD9]  }
0x89: {  	s3 =	sld [smem:$0x3FFE];
	_ =	sdelay $0x1  }
0x8a: {  	s1 =	srdreg.scid  }
0x8b: {  	s0 =	sand.u32 $0x1, s1  }
0x8c: {  	s16 =	sshll.u32 s0, $0xA;
	s2 =	sadd.s32 s3, s2  }
0x8d: {  	s2 =	sadd.s32 s2, s16  }
0x8e: {  	[smem:$0x3FC6] =	sst s2  }
0x8f: {  	_ = 	snop  }
0x90: {  	(tm) =	ssettm $0x1  }
0x91: {  	s17 =	sld [smem:$0x3FFB];
	_ =	sdelay $0x3  }
0x92: {  	_ =	strace s17  }
0x93: {  	s2 =	sld [smem:$0x3FFC];
	_ =	sdelay $0x3  }
0x94: {  	_ =	strace s2  }
0x95: {  	s2 =	sld [smem:$0x3FFD];
	_ =	sdelay $0x3  }
0x96: {  	_ =	strace s2  }
0x97: {  	_ =	strace $0x8FFFFFFF  }
0x98: {  	s18 =	sld [smem:$0x3FDB];
	_ =	sdelay $0x1  }
0x99: {  	s19 =	simm.s32 $_scs_section_size  }
0x9a: {  	s4 =	simm.s32 $_size__tile_overlayer_lowered;
	s5 =	simm.s32 $_tile_overlayer_lowered  }
0x9b: {  	s22 =	simm.s32 $0x1BFF;
	s21 =	sshll.u32 s5, $0x1;
	s2 =	sadd.s32 s19, s18  }
0x9c: {  	s6 =	simm.s32 $0x0;
	s20 =	sshll.u32 s4, $0x1;
	s4 =	sadd.s32 s21, s2  }
0x9d: {  	[timem:s6], [sflag:s22] =	dma.local [hbm:s4], s20  }
0x9e: {  	_ =	swait.ge [sflag:s22], s20  }
0x9f: {  	s3 =	ssub.s32 $0x0, s20;
	[sflag:s22] =	ssyncset.done $0x0  }
0xa0: {  	[sflag:s22] =	ssyncadd.s32 s3;
	_ =	sdelay $0x1  }
0xa1: {  	s23 =	simm.s32 $0x1B8B  }
0xa2: {  	_ =	swait.ge [sflag:s23], $0x1  }
0xa3: {  	[sflag:s23] =	ssyncset.done $0x0  }
0xa4: {  	s25 =	simm.s32 $0x1B8E;
	s24 =	sld [smem:$0x3FFE];
	[sflag:s23] =	ssyncadd.s32 $0xFFFFFFFF  }
0xa5: {  	s26 =	simm.s32 $execute0_lowered;
	[smem:$0x3FD2] =	sst s25  }
0xa6: {  	s4 =	sshll.u32 s26, $0x1;
	_ =	strace $0x80000046;
	[dreg:$0x1] =	wrdreg $0xFFFFFFFF  }
0xa7: {  	s28 =	simm.s32 $_size_execute0_lowered;
	s2 =	sadd.s32 s2, s4;
	[dreg:$0x0] =	wrdreg $0x0  }
0xa8: {  	s4 =	sshll.u32 s28, $0x1;
	[dreg:$0x2] =	wrdreg s2  }
0xa9: {  	[dreg:$0x3] =	wrdreg s4  }
0xaa: {  	[dreg:$0x4] =	wrdreg $0xC0  }
0xab: {  	_ =	task [dreg:s6], $0x5FFFF  }
0xac: {  	[dreg:$0x1] =	wrdreg $0xFFFFFFFF  }
0xad: {  	[dreg:$0x0] =	wrdreg $0x60  }
0xae: {  	[dreg:$0x2] =	wrdreg s24  }
0xaf: {  	[dreg:$0x3] =	wrdreg $0x9  }
0xb0: {  	_ =	task.clear_ibuf [dreg:s6], $0x4FFFF;
	_ =	strace $0x90000046  }
0xb1: {  	s29 =	simm.s32 $0x9;
	_ =	strace $0x80000048  }
0xb2: {  	_ =	swait.ge [sflag:s29], $0x1  }
0xb3: {  	[sflag:s29] =	ssyncadd.s32 $0xFFFFFFFF  }
0xb4: {  	_ =	strace $0x90000048  }
0xb5: {  	_ =	sfence  }
0xb6: {  	s30 =	sld [smem:$0x0];
	_ =	sdelay $0x2  }
0xb7: {  	s31 =	sshll.u32 s1, $0xD;
	s1 =	sshrl.u32 s1, $0x2  }
0xb8: {  	s3 =	sand.u32 $0x4000, s31;
	s1 =	sadd.s32 s1, s30  }
0xb9: {  	s0 =	sor.u32 s3, s0;
	s1 =	sshll.u32 s1, $0x11  }
0xba: {  	s0 =	sor.u32 s1, s0  }
0xbb: {  	s0 =	sadd.s32 $0x8F2B, s0  }
0xbc: {  	[sflag:s0] =	ssyncadd.remote.s32 $0x1  }
0xbd: {  	_ =	sfence.sel $0xFFFF  }
0xbe: {  	[dreg:$0x0] =	wrdreg $0xFFFFFFFF;
	(pc) =	sbr.abs _section_cstart, $3  }
0xbf: {  	[dreg:$0x1] =	wrdreg $0xFFFFFFFF  }
0xc0: {  	_ =	task.clear_ibuf [dreg:s6], $0x2FFFF;
	_ =	strace $0x9FFFFFFF  }
0xc1: {  	(tm) =	ssettm $0x7FFFFFFF  }
tec
execute0_lowered:
.L_overlay_start_1:
0x0: {  	(tag) =	ssettag $0x1  }
0x1: {  	s3 =	rddreg [dreg:$0x0]  }
0x2: {  	s0 =	rddreg [dreg:$0x1]  }
0x3: {  	s2 =	simm.s32 $0x0;
	s4 =	srdreg.scid;
	s1 =	stileid.u32  }
0x4: {  	s8 =	simm.s32 $0x8000;
	s9 =	simm.s32 $0x2;
	s10 =	simm.s32 $0xA000  }
0x5: {  	[smem:$0x7FF] =	sst s2;
	s4 =	sand.u32 $0x1, s4;
	s5 =	sshll.u32 s1, $0x1  }
0x6: {  	s11 =	simm.s32 $0x0;
	_ =	strace $0x80000047;
	s5 =	sor.u32 s4, s5  }
0x7: {  	v0 =	vlaneseq.u32;
	s4 =	ssub.s32 $0x2, s4;
	s6 =	sshll.u32 s5, $0xC;
	s5 =	sshll.u32 s5, $0xA  }
0x8: {  	v4 =	vmul.u32 $0xFFFFFFFF, v0;
	s7 =	sshrl.u32 s4, $0x1;
	s6 =	sadd.s32 s6, s3;
	s5 =	sadd.s32 s5, s3  }
0x9: {  	vm0 =	vmmov $0xff;
	v1 =	vor.u32 $0x10, v0;
	s7 =	ssub.s32 s4, s7;
	s3 =	sadd.s32 $0x43400, s6;
	s4 =	sadd.s32 $0x63400, s5  }
0xa: {  	v2 =	vor.u32 $0x20, v0;
	v3 =	vor.u32 $0x30, v0;
	v4 =	vadd.s32 $0xF, v4;
	s5 =	sadd.s32 $0x6B400, s5;
	s6 =	smax.u32 s7, $0x1;
	s7 =	simm.s32 $0x1  }
.LBB2_1:
0xb: {  	[tilespmem:s2], [sflag:$0x1] =	stream.linear.gather [hbm4b:s3+s2], $0x8000, $0x38;
	[tilespmem:$0xC000] =	vst v63  }
0xc: {  	_ =	swait.ge [sflag:s7], $0x8000  }
0xd: {  	[sflag:s7] =	ssyncset.done $0x0  }
0xe: {  	s12 =	simm.s32 $0xC0;
	s13 =	simm.s32 $0x80;
	[sflag:s7] =	ssyncadd.s32 $0xFFFF8000  }
.LBB2_2:
0xf: {  	v5 =	vld [tilespmem:s13+$0xFFFFFF80]  }
0x10: {  	v6 =	vld [tilespmem:s13+$0xFFFFFF90]  }
0x11: {  	v7 =	vld [tilespmem:s13+$0xFFFFFFA0]  }
0x12: {  	v8 =	vld [tilespmem:s13+$0xFFFFFFB0];
	_ =	sdelay $0x1  }
0x13: {  	(xrf1) =	vsort.dscd.msk.f32 $0xffff, v5, v0  }
0x14: {  	(xrf1) =	vsort.dscd.msk.f32 $0xffff, v6, v1  }
0x15: {  	(xrf1) =	vsort.dscd.msk.f32 $0xffff, v7, v2  }
0x16: {  	(xrf1) =	vsort.dscd.msk.f32 $0xffff, v8, v3;
	_ =	sdelay $0xa  }
0x17: {  	v5, v6, _ =	vpop (xrf1)  }
0x18: {  	v7, v41, _ =	vpop (xrf1)  }
0x19: {  	v9, v10, _ =	vpop (xrf1)  }
0x1a: {  	v7 =	vperm.xlane v7, v4;
	v11, v12, _ =	vpop (xrf1)  }
0x1b: {  	v8 =	vperm.xlane v41, v4;
	v11 =	vperm.xlane v11, v4  }
0x1c: {  	vm1 =	vge.f32 v5, v7;
	v12 =	vperm.xlane v12, v4  }
0x1d: {  	v5 =	vsel vm1, v5, v7;
	v6 =	vsel vm1, v6, v8;
	vm1 =	vge.f32 v9, v11  }
0x1e: {  	(xrf1) =	vsort.dscd.msk.f32 $0xffff, v5, v6;
	v5 =	vsel vm1, v9, v11;
	v6 =	vsel vm1, v10, v12  }
0x1f: {  	(xrf1) =	vsort.dscd.msk.f32 $0xffff, v5, v6;
	_ =	sdelay $0xc  }
0x20: {  	v5, v6, _ =	vpop (xrf1)  }
0x21: {  	v7, v42, _ =	vpop (xrf1)  }
0x22: {  	v7 =	vperm.xlane v7, v4  }
0x23: {  	v8 =	vperm.xlane v42, v4  }
0x24: {  	vm1 =	vge.f32 v5, v7  }
0x25: {  	v5 =	vsel vm1, v5, v7;
	v6 =	vsel vm1, v6, v8  }
0x26: {  	(xrf1) =	vsort.dscd.msk.f32 $0xffff, v5, v6;
	_ =	sdelay $0xd  }
0x27: {  	v5, v6, _ =	vpop (xrf1)  }
0x28: {  	v7 =	vnsel vm0, $0x0, v5  }
0x29: {  	(xrf2) =	vadd.scan.msk.f32 $0xffff, v7;
	_ =	sdelay $0x9  }
0x2a: {  	v7, _, _ =	vpop (xrf2)  }
0x2b: {  	v7 =	vbroadcast v7, $0xF;
	_ =	sdelay $0x1  }
0x2c: {  	(erf) = vrcp.f32 v7;
	_ =	sdelay $0x8  }
0x2d: {  	v7 =	vpop (erf)  }
0x2e: {  	s14 =	sshra.s32 s12, $0x2;
	v5 =	vmul.f32 v7, v5  }
0x2f: {  	[tilespmem:s14+$0x7FD0] =	vst v6  }
0x30: {  	s15 =	sadd.s32 $0xFFFFFF80, s12;
	[tilespmem:s14+$0x9FD0] =	vst v5  }
0x31: {  	s16 =	sor.u32 $0x50, s15;
	v5 =	vld [tilespmem:s13+$0xFFFFFFC0]  }
0x32: {  	s28 =	sor.u32 $0x60, s15;
	v6 =	vld [tilespmem:s16+$0x0]  }
0x33: {  	s15 =	sor.u32 $0x70, s15;
	v7 =	vld [tilespmem:s28+$0x0]  }
0x34: {  	v43 =	vld [tilespmem:s15+$0x0];
	_ =	sdelay $0x1  }
0x35: {  	(xrf1) =	vsort.dscd.msk.f32 $0xffff, v5, v0  }
0x36: {  	(xrf1) =	vsort.dscd.msk.f32 $0xffff, v6, v1  }
0x37: {  	(xrf1) =	vsort.dscd.msk.f32 $0xffff, v7, v2  }
0x38: {  	(xrf1) =	vsort.dscd.msk.f32 $0xffff, v43, v3;
	_ =	sdelay $0xa  }
0x39: {  	v5, v6, _ =	vpop (xrf1)  }
0x3a: {  	v7, v44, _ =	vpop (xrf1)  }
0x3b: {  	v45, v46, _ =	vpop (xrf1)  }
0x3c: {  	v7 =	vperm.xlane v7, v4;
	v47, v48, _ =	vpop (xrf1)  }
0x3d: {  	v8 =	vperm.xlane v44, v4;
	v11 =	vperm.xlane v47, v4  }
0x3e: {  	vm1 =	vge.f32 v5, v7;
	v12 =	vperm.xlane v48, v4  }
0x3f: {  	v5 =	vsel vm1, v5, v7;
	v6 =	vsel vm1, v6, v8;
	vm1 =	vge.f32 v45, v11  }
0x40: {  	(xrf1) =	vsort.dscd.msk.f32 $0xffff, v5, v6;
	v5 =	vsel vm1, v45, v11;
	v6 =	vsel vm1, v46, v12  }
0x41: {  	(xrf1) =	vsort.dscd.msk.f32 $0xffff, v5, v6;
	_ =	sdelay $0xc  }
0x42: {  	v5, v6, _ =	vpop (xrf1)  }
0x43: {  	v7, v49, _ =	vpop (xrf1)  }
0x44: {  	v7 =	vperm.xlane v7, v4  }
0x45: {  	v8 =	vperm.xlane v49, v4  }
0x46: {  	vm1 =	vge.f32 v5, v7  }
0x47: {  	v5 =	vsel vm1, v5, v7;
	v6 =	vsel vm1, v6, v8  }
0x48: {  	(xrf1) =	vsort.dscd.msk.f32 $0xffff, v5, v6;
	_ =	sdelay $0xd  }
0x49: {  	v5, v6, _ =	vpop (xrf1)  }
0x4a: {  	v7 =	vnsel vm0, $0x0, v5  }
0x4b: {  	(xrf2) =	vadd.scan.msk.f32 $0xffff, v7;
	_ =	sdelay $0x9  }
0x4c: {  	v7, _, _ =	vpop (xrf2)  }
0x4d: {  	v7 =	vbroadcast v7, $0xF;
	_ =	sdelay $0x1  }
0x4e: {  	(erf) = vrcp.f32 v7;
	_ =	sdelay $0x8  }
0x4f: {  	v7 =	vpop (erf)  }
0x50: {  	v5 =	vmul.f32 v7, v5  }
0x51: {  	[tilespmem:s14+$0x7FE0] =	vst v6  }
0x52: {  	[tilespmem:s14+$0x9FE0] =	vst v5  }
0x53: {  	v5 =	vld [tilespmem:s13+$0x0]  }
0x54: {  	v6 =	vld [tilespmem:s13+$0x10]  }
0x55: {  	v7 =	vld [tilespmem:s13+$0x20]  }
0x56: {  	v50 =	vld [tilespmem:s13+$0x30];
	_ =	sdelay $0x1  }
0x57: {  	(xrf1) =	vsort.dscd.msk.f32 $0xffff, v5, v0  }
0x58: {  	(xrf1) =	vsort.dscd.msk.f32 $0xffff, v6, v1  }
0x59: {  	(xrf1) =	vsort.dscd.msk.f32 $0xffff, v7, v2  }
0x5a: {  	(xrf1) =	vsort.dscd.msk.f32 $0xffff, v50, v3;
	_ =	sdelay $0xa  }
0x5b: {  	v5, v6, _ =	vpop (xrf1)  }
0x5c: {  	v7, v51, _ =	vpop (xrf1)  }
0x5d: {  	v52, v53, _ =	vpop (xrf1)  }
0x5e: {  	v7 =	vperm.xlane v7, v4;
	v54, v55, _ =	vpop (xrf1)  }
0x5f: {  	v8 =	vperm.xlane v51, v4;
	v11 =	vperm.xlane v54, v4  }
0x60: {  	vm1 =	vge.f32 v5, v7;
	v12 =	vperm.xlane v55, v4  }
0x61: {  	v5 =	vsel vm1, v5, v7;
	v6 =	vsel vm1, v6, v8;
	vm1 =	vge.f32 v52, v11  }
0x62: {  	(xrf1) =	vsort.dscd.msk.f32 $0xffff, v5, v6;
	v5 =	vsel vm1, v52, v11;
	v6 =	vsel vm1, v53, v12  }
0x63: {  	(xrf1) =	vsort.dscd.msk.f32 $0xffff, v5, v6;
	_ =	sdelay $0xc  }
0x64: {  	v5, v6, _ =	vpop (xrf1)  }
0x65: {  	v7, v56, _ =	vpop (xrf1)  }
0x66: {  	v7 =	vperm.xlane v7, v4  }
0x67: {  	v8 =	vperm.xlane v56, v4  }
0x68: {  	vm1 =	vge.f32 v5, v7  }
0x69: {  	v5 =	vsel vm1, v5, v7;
	v6 =	vsel vm1, v6, v8  }
0x6a: {  	(xrf1) =	vsort.dscd.msk.f32 $0xffff, v5, v6;
	_ =	sdelay $0xd  }
0x6b: {  	v5, v6, _ =	vpop (xrf1)  }
0x6c: {  	v7 =	vnsel vm0, $0x0, v5  }
0x6d: {  	(xrf2) =	vadd.scan.msk.f32 $0xffff, v7;
	_ =	sdelay $0x9  }
0x6e: {  	v7, _, _ =	vpop (xrf2)  }
0x6f: {  	v7 =	vbroadcast v7, $0xF;
	_ =	sdelay $0x1  }
0x70: {  	(erf) = vrcp.f32 v7;
	_ =	sdelay $0x8  }
0x71: {  	v7 =	vpop (erf)  }
0x72: {  	v5 =	vmul.f32 v7, v5  }
0x73: {  	[tilespmem:s14+$0x7FF0] =	vst v6  }
0x74: {  	[tilespmem:s14+$0x9FF0] =	vst v5  }
0x75: {  	s29 =	sor.u32 $0x50, s12;
	v5 =	vld [tilespmem:s13+$0x40]  }
0x76: {  	s30 =	sor.u32 $0x60, s12;
	v6 =	vld [tilespmem:s29+$0x0]  }
0x77: {  	s31 =	sor.u32 $0x70, s12;
	v7 =	vld [tilespmem:s30+$0x0]  }
0x78: {  	v57 =	vld [tilespmem:s31+$0x0];
	_ =	sdelay $0x1  }
0x79: {  	(xrf1) =	vsort.dscd.msk.f32 $0xffff, v5, v0  }
0x7a: {  	(xrf1) =	vsort.dscd.msk.f32 $0xffff, v6, v1  }
0x7b: {  	(xrf1) =	vsort.dscd.msk.f32 $0xffff, v7, v2  }
0x7c: {  	(xrf1) =	vsort.dscd.msk.f32 $0xffff, v57, v3;
	_ =	sdelay $0xa  }
0x7d: {  	v5, v6, _ =	vpop (xrf1)  }
0x7e: {  	v7, v58, _ =	vpop (xrf1)  }
0x7f: {  	v59, v60, _ =	vpop (xrf1)  }
0x80: {  	v7 =	vperm.xlane v7, v4;
	v61, v62, _ =	vpop (xrf1)  }
0x81: {  	v8 =	vperm.xlane v58, v4;
	v11 =	vperm.xlane v61, v4  }
0x82: {  	vm1 =	vge.f32 v5, v7;
	v12 =	vperm.xlane v62, v4  }
0x83: {  	v5 =	vsel vm1, v5, v7;
	v6 =	vsel vm1, v6, v8;
	vm1 =	vge.f32 v59, v11  }
0x84: {  	(xrf1) =	vsort.dscd.msk.f32 $0xffff, v5, v6;
	v5 =	vsel vm1, v59, v11;
	v6 =	vsel vm1, v60, v12  }
0x85: {  	(xrf1) =	vsort.dscd.msk.f32 $0xffff, v5, v6;
	_ =	sdelay $0xc  }
0x86: {  	v5, v6, _ =	vpop (xrf1)  }
0x87: {  	v7, v63, _ =	vpop (xrf1)  }
0x88: {  	v7 =	vperm.xlane v7, v4  }
0x89: {  	v8 =	vperm.xlane v63, v4  }
0x8a: {  	vm1 =	vge.f32 v5, v7  }
0x8b: {  	v5 =	vsel vm1, v5, v7;
	v6 =	vsel vm1, v6, v8  }
0x8c: {  	(xrf1) =	vsort.dscd.msk.f32 $0xffff, v5, v6;
	_ =	sdelay $0xd  }
0x8d: {  	v5, v6, _ =	vpop (xrf1)  }
0x8e: {  	v7 =	vnsel vm0, $0x0, v5  }
0x8f: {  	(xrf2) =	vadd.scan.msk.f32 $0xffff, v7;
	_ =	sdelay $0x9  }
0x90: {  	v7, _, _ =	vpop (xrf2)  }
0x91: {  	v7 =	vbroadcast v7, $0xF;
	_ =	sdelay $0x1  }
0x92: {  	(erf) = vrcp.f32 v7;
	_ =	sdelay $0x6  }
0x93: {  	p0 =	sne.s32 s12, $0x7FC0  }
.Ltmp0:
0x94: {  	_ = 	snop;
	(pc) =	sbr.rel @p0 .LBB2_2-.Ltmp0, $4  }
0x95: {  	v7 =	vpop (erf)  }
0x96: {  	v5 =	vmul.f32 v7, v5  }
0x97: {  	[tilespmem:s14+$0x8000] =	vst v6  }
0x98: {  	s12 =	sadd.s32 $0x100, s12;
	s13 =	sadd.s32 $0x100, s13;
	[tilespmem:s14+$0xA000] =	vst v5  }
0x99: {  	[hbm4b:s4+s2] =	stream.linear.scatter [tilespmem:s8], [sflag:$0x2], $0x2000, $0x38;
	[tilespmem:$0xC000] =	vst v63  }
0x9a: {  	s11 =	sadd.s32 $0x1, s11;
	_ =	swait.ge [sflag:s9], $0x2000  }
0x9b: {  	p0 =	sne.s32 s11, s6;
	[sflag:s9] =	ssyncset.done $0x0  }
.Ltmp1:
0x9c: {  	[sflag:s9] =	ssyncadd.s32 $0xFFFFE000;
	(pc) =	sbr.rel @p0 .LBB2_1-.Ltmp1, $4  }
0x9d: {  	[hbm4b:s5+s2] =	stream.linear.scatter [tilespmem:s10], [sflag:$0x2], $0x2000, $0x38;
	[tilespmem:$0xC000] =	vst v63  }
0x9e: {  	_ =	swait.ge [sflag:s9], $0x2000  }
0x9f: {  	[sflag:s9] =	ssyncset.done $0x0  }
0xa0: {  	[sflag:s9] =	ssyncadd.s32 $0xFFFFE000  }
0xa1: {  	_ =	sfence.sel $0x180000  }
0xa2: {  	[bflag:$0x0] =	sbarrier.arrive $0xFFFF  }
0xa3: {  	p0 =	sne.s32 s1, $0x0;
	_ =	strace $0x90000047  }
0xa4: {  	s0 =	sadd.s32 @!p0 $0x100000, s0;
	[bflag:$0x2] =	sbarrier.arrive $0xFFFF  }
0xa5: {  	[sflag:s0] =	ssyncadd.tile.s32 @!p0 $0x1;
	_ =	shalt  }
.Lfunc_end2:
_tile_overlayer_lowered:
.L_overlay_start_2:
0xa6: {  	(tag) =	ssettag $0x2  }
0xa7: {  	s0 =	rddreg [dreg:$0x0];
	s2 =	stileid.u32  }
0xa8: {  	s1 =	rddreg [dreg:$0x1];
	p0 =	sne.s32 s2, $0x0  }
0xa9: {  	s3 =	rddreg [dreg:$0x2];
	[bflag:$0x3] =	sbarrier.arrive $0xFFFF;
	s2 =	simm.s32 @!p0 $0x1C02  }
0xaa: {  	[timem:s3], [sflag:s2] =	dma.local @!p0 [hbm:s0], s1  }
0xab: {  	s0 =	simm.s32 @!p0 $0x2  }
0xac: {  	_ =	swait.ge @!p0 [sflag:s0], s1  }
0xad: {  	s1 =	ssub.s32 @!p0 $0x0, s1;
	[sflag:s0] =	ssyncset.done @!p0 $0x0  }
0xae: {  	[sflag:s0] =	ssyncadd.s32 @!p0 s1  }
0xaf: {  	[bflag:$0x3] =	sbarrier.arrive $0xFFFF  }
0xb0: {  	_ =	shalt  }

// kernel: kernel.9.cloned.1.call-start
scs
__scs_entry_jumppad:
0x0: {  	(pc) =	sbr.rel $0x88, $3  }
0x1: {  	(tag) =	ssettag $0x0;
	lr =	simm.s32 $0x1  }
0x2: {  	[smem:$0x3F9F] =	sst lr;
	_ =	strace $0xD0000000  }
0x3: {  	_ = 	snop  }
0x4: {  	_ = 	snop  }
0x5: {  	_ = 	snop  }
0x6: {  	_ = 	snop  }
0x7: {  	_ = 	snop  }
__scs_overlays_trampoline_lowered:
0x8: {  	[smem:$0x3FAE] =	sst s0  }
0x9: {  	[smem:$0x3FAF] =	sst s1  }
0xa: {  	[smem:$0x3FB0] =	sst s2  }
0xb: {  	[smem:$0x3FB1] =	sst s3  }
0xc: {  	[smem:$0x3FB2] =	sst s4  }
0xd: {  	[smem:$0x3FB3] =	sst s5  }
0xe: {  	[smem:$0x3FB4] =	sst s6  }
0xf: {  	[smem:$0x3FB5] =	sst s7  }
0x10: {  	[smem:$0x3FB6] =	sst s8  }
0x11: {  	[smem:$0x3FB7] =	sst s9;
	s0 =	simm.s32 @!p0 $0x0  }
0x12: {  	s1 =	sld [smem:$0x3F9D];
	s0 =	simm.s32 @p0 $0x1  }
0x13: {  	[smem:$0x3FB8] =	sst s0;
	s0 =	simm.s32 @!p1 $0x0  }
0x14: {  	s2 =	sld [smem:$0x3F9C];
	s0 =	simm.s32 @p1 $0x1  }
0x15: {  	[smem:$0x3FB9] =	sst s0;
	s0 =	simm.s32 @!p2 $0x0  }
0x16: {  	s3 =	sld [smem:$0x3FDB];
	s0 =	simm.s32 @p2 $0x1  }
0x17: {  	s4 =	simm.s32 $0x1BF5;
	[smem:$0x3FBB] =	sst s0  }
0x18: {  	s0 =	sld [smem:$0x3F9E];
	_ =	swait.ge [sflag:s4], $0x0  }
0x19: {  	s7 =	sld [smem:$0x3F9F]  }
0x1a: {  	s8 =	sadd.s32 $0xFFFFE003, lr  }
0x1b: {  	s9 =	sadd.s32 $0xFFFFFEF7, lr;
	s5 =	simm.s32 $0xFFFFFFFF;
	p2 =	slt.u32 s8, $0xFFFFF086  }
0x1c: {  	p1 =	slt.u32 s9, $0xF7A;
	s5 =	simm.s32 @!p2 $0x0  }
0x1d: {  	s5 =	simm.s32 @p1 $0x1;
	p0 =	seq.s32 s7, s2  }
0x1e: {  	s7 =	smul.u32 @!p0 $0xF7A, s2;
	p2 =	seq.s32 @!p0 s5, $0x0  }
0x1f: {  	s9 =	smul.u32 $0xF7A, s1;
	s8 =	simm.s32 @!p0 $0x1BF5;
	p2 =	por !p2, p0  }
0x20: {  	[sflag:s8] =	ssyncset.s32 @!p0 $0xFFFFF086;
	s6 =	sadd.s32 @!p0 s3, s7;
	s7 =	simm.s32 @!p0 $0x108  }
0x21: {  	s3 =	sadd.s32 s3, s9;
	s6 =	sadd.s32 @!p0 $0x88, s6;
	s7 =	simm.s32 @p2 $0x1082  }
0x22: {  	[simem:s7], [sflag:s8] =	dma.local @!p0 [hbm:s6], $0xF7A  }
0x23: {  	s9 =	sor.u32 $0xD0000000, s2;
	s6 =	simm.s32 $0x108;
	_ =	swait.ge @!p0 [sflag:s8], $0x0  }
0x24: {  	s3 =	sadd.s32 $0x88, s3;
	s6 =	simm.s32 @!p1 $0x1082;
	[sflag:s4] =	ssyncset.s32 $0xFFFFF086  }
0x25: {  	[simem:s6], [sflag:s4] =	dma.local [hbm:s3], $0xF7A  }
0x26: {  	[smem:$0x3F9F] =	sst s1;
	(tag) =	ssettag s2;
	_ =	strace s9  }
0x27: {  	s1 =	sld [smem:$0x3FAF]  }
0x28: {  	s2 =	sld [smem:$0x3FB0]  }
0x29: {  	s4 =	sld [smem:$0x3FB2]  }
0x2a: {  	p0 =	seq.s32 s5, $0x0;
	s5 =	sld [smem:$0x3FB3]  }
0x2b: {  	s6 =	sld [smem:$0x3FB4]  }
0x2c: {  	s7 =	sld [smem:$0x3FB5]  }
0x2d: {  	s3 =	simm.s32 $0x108;
	s8 =	sld [smem:$0x3FB6]  }
0x2e: {  	s3 =	simm.s32 @!p0 $0x1082;
	s9 =	sld [smem:$0x3FB7]  }
0x2f: {  	lr =	sadd.s32 s0, s3;
	s0 =	sld [smem:$0x3FAE]  }
0x30: {  	s3 =	sld [smem:$0x3FB1]  }
0x31: {  	[smem:$0x3FBA] =	sst s10  }
0x32: {  	s10 =	sld [smem:$0x3FB8];
	_ =	sdelay $0x3  }
0x33: {  	p0 =	seq.s32 s10, $0x1;
	s10 =	sld [smem:$0x3FBA];
	_ =	sdelay $0x3  }
0x34: {  	[smem:$0x3FBA] =	sst s10  }
0x35: {  	s10 =	sld [smem:$0x3FB9];
	_ =	sdelay $0x3  }
0x36: {  	p1 =	seq.s32 s10, $0x1;
	s10 =	sld [smem:$0x3FBA];
	_ =	sdelay $0x3  }
0x37: {  	[smem:$0x3FBA] =	sst s10  }
0x38: {  	s10 =	sld [smem:$0x3FBB]  }
0x39: {  	_ = 	snop;
	(pc) =	sbr.ind lr, $3  }
0x3a: {  	_ = 	snop  }
0x3b: {  	_ = 	snop  }
0x3c: {  	p2 =	seq.s32 s10, $0x1;
	s10 =	sld [smem:$0x3FBA]  }
0x3d: {  	_ =	shalt  }
0x3e: {  	_ =	shalt  }
0x3f: {  	_ =	shalt  }
0x40: {  	_ =	shalt  }
0x41: {  	_ =	shalt  }
0x42: {  	_ =	shalt  }
0x43: {  	_ =	shalt  }
0x44: {  	_ =	shalt  }
0x45: {  	_ =	shalt  }
0x46: {  	_ =	shalt  }
0x47: {  	_ =	shalt  }
0x48: {  	_ =	shalt  }
0x49: {  	_ =	shalt  }
0x4a: {  	_ =	shalt  }
0x4b: {  	_ =	shalt  }
0x4c: {  	_ =	shalt  }
0x4d: {  	_ =	shalt  }
0x4e: {  	_ =	shalt  }
0x4f: {  	_ =	shalt  }
0x50: {  	_ =	shalt  }
0x51: {  	_ =	shalt  }
0x52: {  	_ =	shalt  }
0x53: {  	_ =	shalt  }
0x54: {  	_ =	shalt  }
0x55: {  	_ =	shalt  }
0x56: {  	_ =	shalt  }
0x57: {  	_ =	shalt  }
0x58: {  	_ =	shalt  }
0x59: {  	_ =	shalt  }
0x5a: {  	_ =	shalt  }
0x5b: {  	_ =	shalt  }
0x5c: {  	_ =	shalt  }
0x5d: {  	_ =	shalt  }
0x5e: {  	_ =	shalt  }
0x5f: {  	_ =	shalt  }
0x60: {  	_ =	shalt  }
0x61: {  	_ =	shalt  }
0x62: {  	_ =	shalt  }
0x63: {  	_ =	shalt  }
0x64: {  	_ =	shalt  }
0x65: {  	_ =	shalt  }
0x66: {  	_ =	shalt  }
0x67: {  	_ =	shalt  }
0x68: {  	_ =	shalt  }
0x69: {  	_ =	shalt  }
0x6a: {  	_ =	shalt  }
0x6b: {  	_ =	shalt  }
0x6c: {  	_ =	shalt  }
0x6d: {  	_ =	shalt  }
0x6e: {  	_ =	shalt  }
0x6f: {  	_ =	shalt  }
0x70: {  	_ =	shalt  }
0x71: {  	_ =	shalt  }
0x72: {  	_ =	shalt  }
0x73: {  	_ =	shalt  }
0x74: {  	_ =	shalt  }
0x75: {  	_ =	shalt  }
0x76: {  	_ =	shalt  }
0x77: {  	_ =	shalt  }
0x78: {  	_ =	shalt  }
0x79: {  	_ =	shalt  }
0x7a: {  	_ =	shalt  }
0x7b: {  	_ =	shalt  }
0x7c: {  	_ =	shalt  }
0x7d: {  	_ =	shalt  }
0x7e: {  	_ =	shalt  }
0x7f: {  	_ =	shalt  }
0x80: {  	_ =	shalt  }
0x81: {  	_ =	shalt  }
0x82: {  	_ =	shalt  }
0x83: {  	_ =	shalt  }
0x84: {  	_ =	shalt  }
0x85: {  	_ =	shalt  }
0x86: {  	_ =	shalt  }
0x87: {  	_ =	shalt  }
.Lfunc_end0:
.L_simem_size_0:
called_computation.1_lowered:
.L_overlay_start_0:
0x88: {  	s2 =	sld [smem:$0x3FD9]  }
0x89: {  	s3 =	sld [smem:$0x3FFE];
	_ =	sdelay $0x1  }
0x8a: {  	s1 =	srdreg.scid  }
0x8b: {  	s0 =	sand.u32 $0x1, s1  }
0x8c: {  	s15 =	sshll.u32 s0, $0xA;
	s2 =	sadd.s32 s3, s2  }
0x8d: {  	s2 =	sadd.s32 s2, s15  }
0x8e: {  	[smem:$0x3FC6] =	sst s2  }
0x8f: {  	_ = 	snop  }
0x90: {  	s2 =	sld [smem:$0x3FD0];
	_ =	sdelay $0x2  }
0x91: {  	s4 =	simm.s32 $0xB;
	s16 =	simm.s32 $0x10  }
0x92: {  	[smem:s16], [sflag:s4] =	dma.local [hbm:s2], $0x1  }
0x93: {  	_ =	swait.eq [sflag:s4], $0x1  }
0x94: {  	[sflag:s4] =	ssyncset.done $0x0  }
0x95: {  	s17 =	sld [smem:$0x10];
	[sflag:s4] =	ssyncadd.s32 $0xFFFFFFFF  }
0x96: {  	s18 =	sld [smem:$0x12];
	(tm) =	ssettm $0x1  }
0x97: {  	s19 =	sld [smem:$0x3FFB];
	_ =	sdelay $0x3  }
0x98: {  	_ =	strace s19  }
0x99: {  	s2 =	sld [smem:$0x3FFC];
	_ =	sdelay $0x3  }
0x9a: {  	_ =	strace s2  }
0x9b: {  	s2 =	sld [smem:$0x3FFD];
	_ =	sdelay $0x3  }
0x9c: {  	_ =	strace s2  }
0x9d: {  	_ =	strace $0x8FFFFFFF  }
0x9e: {  	s20 =	sld [smem:$0x3FDB];
	_ =	sdelay $0x1  }
0x9f: {  	s5 =	simm.s32 $_scs_section_size  }
0xa0: {  	s6 =	simm.s32 $_size__tile_overlayer_lowered;
	s7 =	simm.s32 $_tile_overlayer_lowered  }
0xa1: {  	s8 =	simm.s32 $0x1BFF;
	s21 =	sshll.u32 s7, $0x1;
	s5 =	sadd.s32 s5, s20  }
0xa2: {  	s22 =	simm.s32 $0x0;
	s6 =	sshll.u32 s6, $0x1;
	s7 =	sadd.s32 s21, s5  }
0xa3: {  	[timem:s22], [sflag:s8] =	dma.local [hbm:s7], s6  }
0xa4: {  	_ =	swait.ge [sflag:s8], s6  }
0xa5: {  	s6 =	ssub.s32 $0x0, s6;
	[sflag:s8] =	ssyncset.done $0x0  }
0xa6: {  	[sflag:s8] =	ssyncadd.s32 s6;
	_ =	sdelay $0x1  }
0xa7: {  	s23 =	simm.s32 $0x1B8B  }
0xa8: {  	_ =	swait.ge [sflag:s23], $0x1  }
0xa9: {  	[sflag:s23] =	ssyncset.done $0x0  }
0xaa: {  	[sflag:s23] =	ssyncadd.s32 $0xFFFFFFFF  }
0xab: {  	s6 =	sld [smem:$0x0]  }
0xac: {  	s7 =	sand.u32 $0xFFFFFFFE, s1  }
0xad: {  	p0 =	sne.s32 s1, s7  }
0xae: {  	s7 =	sshll.u32 @p0 s7, $0xE  }
0xaf: {  	s7 =	sadd.s32 @p0 $0x11B8D, s7;
	s8 =	sshll.u32 @p0 s6, $0x11  }
0xb0: {  	s7 =	sor.u32 @p0 s8, s7  }
0xb1: {  	[sflag:s7] =	ssyncadd.remote.s32 @p0 $0x1;
	_ =	sdelay $0x1  }
0xb2: {  	s7 =	simm.s32 @p0 $0x1B8D  }
0xb3: {  	_ =	swait.eq @p0 [sflag:s7], $0x1  }
0xb4: {  	[sflag:s7] =	ssyncadd.s32 @p0 $0xFFFFFFFF  }
0xb5: {  	s8 =	sshll.u32 @!p0 s1, $0xE  }
0xb6: {  	s8 =	sor.u32 @!p0 $0x4000, s8;
	s7 =	simm.s32 @!p0 $0x1B8D  }
0xb7: {  	s6 =	sshll.u32 @!p0 s6, $0x11;
	s8 =	sadd.s32 @!p0 $0x11B8D, s8;
	_ =	swait.eq @!p0 [sflag:s7], $0x1  }
0xb8: {  	s6 =	sor.u32 @!p0 s6, s8;
	[sflag:s7] =	ssyncadd.s32 @!p0 $0xFFFFFFFF  }
0xb9: {  	s25 =	simm.s32 $0x1B8E;
	s24 =	sld [smem:$0x3FFE];
	[sflag:s6] =	ssyncadd.remote.s32 @!p0 $0x1  }
0xba: {  	s26 =	simm.s32 $execute0_lowered;
	[smem:$0x3FD2] =	sst s25  }
0xbb: {  	s7 =	sshll.u32 s26, $0x1;
	_ =	strace $0x80000049;
	[dreg:$0x1] =	wrdreg $0xFFFFFFFF  }
0xbc: {  	s28 =	simm.s32 $_size_execute0_lowered;
	s5 =	sadd.s32 s5, s7;
	[dreg:$0x0] =	wrdreg $0x0  }
0xbd: {  	s7 =	sshll.u32 s28, $0x1;
	[dreg:$0x2] =	wrdreg s5  }
0xbe: {  	[dreg:$0x3] =	wrdreg s7  }
0xbf: {  	[dreg:$0x4] =	wrdreg $0xC0  }
0xc0: {  	_ =	task [dreg:s22], $0x5FFFF  }
0xc1: {  	[dreg:$0x1] =	wrdreg $0xFFFFFFFF  }
0xc2: {  	[dreg:$0x0] =	wrdreg $0x60  }
0xc3: {  	[dreg:$0x2] =	wrdreg s24  }
0xc4: {  	[dreg:$0x3] =	wrdreg s18  }
0xc5: {  	[dreg:$0x4] =	wrdreg s17  }
0xc6: {  	[dreg:$0x5] =	wrdreg $0xA  }
0xc7: {  	_ =	task.clear_ibuf [dreg:s22], $0x6FFFF;
	_ =	strace $0x90000049  }
0xc8: {  	s29 =	simm.s32 $0xA;
	_ =	strace $0x8000004B  }
0xc9: {  	_ =	swait.ge [sflag:s29], $0x1  }
0xca: {  	[sflag:s29] =	ssyncadd.s32 $0xFFFFFFFF  }
0xcb: {  	_ =	strace $0x9000004B  }
0xcc: {  	_ =	sfence  }
0xcd: {  	s30 =	sld [smem:$0x0];
	_ =	sdelay $0x2  }
0xce: {  	s31 =	sshll.u32 s1, $0xD;
	s1 =	sshrl.u32 s1, $0x2  }
0xcf: {  	s4 =	sand.u32 $0x4000, s31;
	s1 =	sadd.s32 s1, s30  }
0xd0: {  	s0 =	sor.u32 s4, s0;
	s1 =	sshll.u32 s1, $0x11  }
0xd1: {  	s0 =	sor.u32 s1, s0  }
0xd2: {  	s0 =	sadd.s32 $0x8F2B, s0  }
0xd3: {  	[sflag:s0] =	ssyncadd.remote.s32 $0x1  }
0xd4: {  	_ =	sfence.sel $0xFFFF  }
0xd5: {  	[dreg:$0x0] =	wrdreg $0xFFFFFFFF;
	(pc) =	sbr.abs _section_cstart, $3  }
0xd6: {  	[dreg:$0x1] =	wrdreg $0xFFFFFFFF  }
0xd7: {  	_ =	task.clear_ibuf [dreg:s22], $0x2FFFF;
	_ =	strace $0x9FFFFFFF  }
0xd8: {  	(tm) =	ssettm $0x7FFFFFFF  }
0xd9: {  	_ =	shalt  }
tec
execute0_lowered:
.L_overlay_start_1:
0x0: {  	(tag) =	ssettag $0x1  }
0x1: {  	s3 =	rddreg [dreg:$0x0]  }
0x2: {  	s4 =	rddreg [dreg:$0x1]  }
0x3: {  	s5 =	rddreg [dreg:$0x2]  }
0x4: {  	s0 =	rddreg [dreg:$0x3]  }
0x5: {  	s6 =	srdreg.scid;
	s1 =	stileid.u32  }
0x6: {  	s2 =	simm.s32 $0x0;
	s10 =	simm.s32 $0xA000;
	s11 =	simm.s32 $0x0  }
0x7: {  	s6 =	sand.u32 $0x1, s6;
	s7 =	sshll.u32 s1, $0x1;
	[smem:$0x7FF] =	sst s2  }
0x8: {  	s7 =	sor.u32 s6, s7;
	s6 =	ssub.s32 $0x2, s6;
	_ =	strace $0x8000004A  }
0x9: {  	v0 =	vlaneseq.u32;
	s8 =	sshll.u32 s7, $0xC;
	s9 =	sshrl.u32 s6, $0x1;
	s7 =	sshll.u32 s7, $0xA  }
0xa: {  	v4 =	vmul.u32 $0xFFFFFFFF, v0;
	s3 =	sadd.s32 s8, s3;
	s6 =	ssub.s32 s6, s9;
	s4 =	sadd.s32 s4, s7  }
0xb: {  	vm0 =	vmmov $0xff;
	v1 =	vor.u32 $0x10, v0;
	s5 =	sadd.s32 s5, s7;
	s7 =	simm.s32 $0x1;
	s8 =	simm.s32 $0x8000  }
0xc: {  	v2 =	vor.u32 $0x20, v0;
	v3 =	vor.u32 $0x30, v0;
	v4 =	vadd.s32 $0xF, v4;
	s9 =	simm.s32 $0x2;
	s3 =	sadd.s32 $0x73400, s3;
	s6 =	smax.u32 s6, $0x1  }
.LBB2_1:
0xd: {  	[tilespmem:s2], [sflag:$0x1] =	stream.linear.gather [hbm4b:s3+s2], $0x8000, $0x38;
	[tilespmem:$0xC000] =	vst v63  }
0xe: {  	_ =	swait.ge [sflag:s7], $0x8000  }
0xf: {  	[sflag:s7] =	ssyncset.done $0x0  }
0x10: {  	s12 =	simm.s32 $0xC0;
	s13 =	simm.s32 $0x80;
	[sflag:s7] =	ssyncadd.s32 $0xFFFF8000  }
.LBB2_2:
0x11: {  	v5 =	vld [tilespmem:s13+$0xFFFFFF80]  }
0x12: {  	v6 =	vld [tilespmem:s13+$0xFFFFFF90]  }
0x13: {  	v7 =	vld [tilespmem:s13+$0xFFFFFFA0]  }
0x14: {  	v8 =	vld [tilespmem:s13+$0xFFFFFFB0];
	_ =	sdelay $0x1  }
0x15: {  	(xrf1) =	vsort.dscd.msk.f32 $0xffff, v5, v0  }
0x16: {  	(xrf1) =	vsort.dscd.msk.f32 $0xffff, v6, v1  }
0x17: {  	(xrf1) =	vsort.dscd.msk.f32 $0xffff, v7, v2  }
0x18: {  	(xrf1) =	vsort.dscd.msk.f32 $0xffff, v8, v3;
	_ =	sdelay $0xa  }
0x19: {  	v5, v6, _ =	vpop (xrf1)  }
0x1a: {  	v7, v41, _ =	vpop (xrf1)  }
0x1b: {  	v9, v10, _ =	vpop (xrf1)  }
0x1c: {  	v7 =	vperm.xlane v7, v4;
	v11, v12, _ =	vpop (xrf1)  }
0x1d: {  	v8 =	vperm.xlane v41, v4;
	v11 =	vperm.xlane v11, v4  }
0x1e: {  	vm1 =	vge.f32 v5, v7;
	v12 =	vperm.xlane v12, v4  }
0x1f: {  	v5 =	vsel vm1, v5, v7;
	v6 =	vsel vm1, v6, v8;
	vm1 =	vge.f32 v9, v11  }
0x20: {  	(xrf1) =	vsort.dscd.msk.f32 $0xffff, v5, v6;
	v5 =	vsel vm1, v9, v11;
	v6 =	vsel vm1, v10, v12  }
0x21: {  	(xrf1) =	vsort.dscd.msk.f32 $0xffff, v5, v6;
	_ =	sdelay $0xc  }
0x22: {  	v5, v6, _ =	vpop (xrf1)  }
0x23: {  	v7, v42, _ =	vpop (xrf1)  }
0x24: {  	v7 =	vperm.xlane v7, v4  }
0x25: {  	v8 =	vperm.xlane v42, v4  }
0x26: {  	vm1 =	vge.f32 v5, v7  }
0x27: {  	v5 =	vsel vm1, v5, v7;
	v6 =	vsel vm1, v6, v8  }
0x28: {  	(xrf1) =	vsort.dscd.msk.f32 $0xffff, v5, v6;
	_ =	sdelay $0xd  }
0x29: {  	v5, v6, _ =	vpop (xrf1)  }
0x2a: {  	v7 =	vnsel vm0, $0x0, v5  }
0x2b: {  	(xrf2) =	vadd.scan.msk.f32 $0xffff, v7;
	_ =	sdelay $0x9  }
0x2c: {  	v7, _, _ =	vpop (xrf2)  }
0x2d: {  	v7 =	vbroadcast v7, $0xF;
	_ =	sdelay $0x1  }
0x2e: {  	(erf) = vrcp.f32 v7;
	_ =	sdelay $0x8  }
0x2f: {  	v7 =	vpop (erf)  }
0x30: {  	s14 =	sshra.s32 s12, $0x2;
	v5 =	vmul.f32 v7, v5  }
0x31: {  	[tilespmem:s14+$0x7FD0] =	vst v6  }
0x32: {  	s15 =	sadd.s32 $0xFFFFFF80, s12;
	[tilespmem:s14+$0x9FD0] =	vst v5  }
0x33: {  	s16 =	sor.u32 $0x50, s15;
	v5 =	vld [tilespmem:s13+$0xFFFFFFC0]  }
0x34: {  	s28 =	sor.u32 $0x60, s15;
	v6 =	vld [tilespmem:s16+$0x0]  }
0x35: {  	s15 =	sor.u32 $0x70, s15;
	v7 =	vld [tilespmem:s28+$0x0]  }
0x36: {  	v43 =	vld [tilespmem:s15+$0x0];
	_ =	sdelay $0x1  }
0x37: {  	(xrf1) =	vsort.dscd.msk.f32 $0xffff, v5, v0  }
0x38: {  	(xrf1) =	vsort.dscd.msk.f32 $0xffff, v6, v1  }
0x39: {  	(xrf1) =	vsort.dscd.msk.f32 $0xffff, v7, v2  }
0x3a: {  	(xrf1) =	vsort.dscd.msk.f32 $0xffff, v43, v3;
	_ =	sdelay $0xa  }
0x3b: {  	v5, v6, _ =	vpop (xrf1)  }
0x3c: {  	v7, v44, _ =	vpop (xrf1)  }
0x3d: {  	v45, v46, _ =	vpop (xrf1)  }
0x3e: {  	v7 =	vperm.xlane v7, v4;
	v47, v48, _ =	vpop (xrf1)  }
0x3f: {  	v8 =	vperm.xlane v44, v4;
	v11 =	vperm.xlane v47, v4  }
0x40: {  	vm1 =	vge.f32 v5, v7;
	v12 =	vperm.xlane v48, v4  }
0x41: {  	v5 =	vsel vm1, v5, v7;
	v6 =	vsel vm1, v6, v8;
	vm1 =	vge.f32 v45, v11  }
0x42: {  	(xrf1) =	vsort.dscd.msk.f32 $0xffff, v5, v6;
	v5 =	vsel vm1, v45, v11;
	v6 =	vsel vm1, v46, v12  }
0x43: {  	(xrf1) =	vsort.dscd.msk.f32 $0xffff, v5, v6;
	_ =	sdelay $0xc  }
0x44: {  	v5, v6, _ =	vpop (xrf1)  }
0x45: {  	v7, v49, _ =	vpop (xrf1)  }
0x46: {  	v7 =	vperm.xlane v7, v4  }
0x47: {  	v8 =	vperm.xlane v49, v4  }
0x48: {  	vm1 =	vge.f32 v5, v7  }
0x49: {  	v5 =	vsel vm1, v5, v7;
	v6 =	vsel vm1, v6, v8  }
0x4a: {  	(xrf1) =	vsort.dscd.msk.f32 $0xffff, v5, v6;
	_ =	sdelay $0xd  }
0x4b: {  	v5, v6, _ =	vpop (xrf1)  }
0x4c: {  	v7 =	vnsel vm0, $0x0, v5  }
0x4d: {  	(xrf2) =	vadd.scan.msk.f32 $0xffff, v7;
	_ =	sdelay $0x9  }
0x4e: {  	v7, _, _ =	vpop (xrf2)  }
0x4f: {  	v7 =	vbroadcast v7, $0xF;
	_ =	sdelay $0x1  }
0x50: {  	(erf) = vrcp.f32 v7;
	_ =	sdelay $0x8  }
0x51: {  	v7 =	vpop (erf)  }
0x52: {  	v5 =	vmul.f32 v7, v5  }
0x53: {  	[tilespmem:s14+$0x7FE0] =	vst v6  }
0x54: {  	[tilespmem:s14+$0x9FE0] =	vst v5  }
0x55: {  	v5 =	vld [tilespmem:s13+$0x0]  }
0x56: {  	v6 =	vld [tilespmem:s13+$0x10]  }
0x57: {  	v7 =	vld [tilespmem:s13+$0x20]  }
0x58: {  	v50 =	vld [tilespmem:s13+$0x30];
	_ =	sdelay $0x1  }
0x59: {  	(xrf1) =	vsort.dscd.msk.f32 $0xffff, v5, v0  }
0x5a: {  	(xrf1) =	vsort.dscd.msk.f32 $0xffff, v6, v1  }
0x5b: {  	(xrf1) =	vsort.dscd.msk.f32 $0xffff, v7, v2  }
0x5c: {  	(xrf1) =	vsort.dscd.msk.f32 $0xffff, v50, v3;
	_ =	sdelay $0xa  }
0x5d: {  	v5, v6, _ =	vpop (xrf1)  }
0x5e: {  	v7, v51, _ =	vpop (xrf1)  }
0x5f: {  	v52, v53, _ =	vpop (xrf1)  }
0x60: {  	v7 =	vperm.xlane v7, v4;
	v54, v55, _ =	vpop (xrf1)  }
0x61: {  	v8 =	vperm.xlane v51, v4;
	v11 =	vperm.xlane v54, v4  }
0x62: {  	vm1 =	vge.f32 v5, v7;
	v12 =	vperm.xlane v55, v4  }
0x63: {  	v5 =	vsel vm1, v5, v7;
	v6 =	vsel vm1, v6, v8;
	vm1 =	vge.f32 v52, v11  }
0x64: {  	(xrf1) =	vsort.dscd.msk.f32 $0xffff, v5, v6;
	v5 =	vsel vm1, v52, v11;
	v6 =	vsel vm1, v53, v12  }
0x65: {  	(xrf1) =	vsort.dscd.msk.f32 $0xffff, v5, v6;
	_ =	sdelay $0xc  }
0x66: {  	v5, v6, _ =	vpop (xrf1)  }
0x67: {  	v7, v56, _ =	vpop (xrf1)  }
0x68: {  	v7 =	vperm.xlane v7, v4  }
0x69: {  	v8 =	vperm.xlane v56, v4  }
0x6a: {  	vm1 =	vge.f32 v5, v7  }
0x6b: {  	v5 =	vsel vm1, v5, v7;
	v6 =	vsel vm1, v6, v8  }
0x6c: {  	(xrf1) =	vsort.dscd.msk.f32 $0xffff, v5, v6;
	_ =	sdelay $0xd  }
0x6d: {  	v5, v6, _ =	vpop (xrf1)  }
0x6e: {  	v7 =	vnsel vm0, $0x0, v5  }
0x6f: {  	(xrf2) =	vadd.scan.msk.f32 $0xffff, v7;
	_ =	sdelay $0x9  }
0x70: {  	v7, _, _ =	vpop (xrf2)  }
0x71: {  	v7 =	vbroadcast v7, $0xF;
	_ =	sdelay $0x1  }
0x72: {  	(erf) = vrcp.f32 v7;
	_ =	sdelay $0x8  }
0x73: {  	v7 =	vpop (erf)  }
0x74: {  	v5 =	vmul.f32 v7, v5  }
0x75: {  	[tilespmem:s14+$0x7FF0] =	vst v6  }
0x76: {  	[tilespmem:s14+$0x9FF0] =	vst v5  }
0x77: {  	s29 =	sor.u32 $0x50, s12;
	v5 =	vld [tilespmem:s13+$0x40]  }
0x78: {  	s30 =	sor.u32 $0x60, s12;
	v6 =	vld [tilespmem:s29+$0x0]  }
0x79: {  	s31 =	sor.u32 $0x70, s12;
	v7 =	vld [tilespmem:s30+$0x0]  }
0x7a: {  	v57 =	vld [tilespmem:s31+$0x0];
	_ =	sdelay $0x1  }
0x7b: {  	(xrf1) =	vsort.dscd.msk.f32 $0xffff, v5, v0  }
0x7c: {  	(xrf1) =	vsort.dscd.msk.f32 $0xffff, v6, v1  }
0x7d: {  	(xrf1) =	vsort.dscd.msk.f32 $0xffff, v7, v2  }
0x7e: {  	(xrf1) =	vsort.dscd.msk.f32 $0xffff, v57, v3;
	_ =	sdelay $0xa  }
0x7f: {  	v5, v6, _ =	vpop (xrf1)  }
0x80: {  	v7, v58, _ =	vpop (xrf1)  }
0x81: {  	v59, v60, _ =	vpop (xrf1)  }
0x82: {  	v7 =	vperm.xlane v7, v4;
	v61, v62, _ =	vpop (xrf1)  }
0x83: {  	v8 =	vperm.xlane v58, v4;
	v11 =	vperm.xlane v61, v4  }
0x84: {  	vm1 =	vge.f32 v5, v7;
	v12 =	vperm.xlane v62, v4  }
0x85: {  	v5 =	vsel vm1, v5, v7;
	v6 =	vsel vm1, v6, v8;
	vm1 =	vge.f32 v59, v11  }
0x86: {  	(xrf1) =	vsort.dscd.msk.f32 $0xffff, v5, v6;
	v5 =	vsel vm1, v59, v11;
	v6 =	vsel vm1, v60, v12  }
0x87: {  	(xrf1) =	vsort.dscd.msk.f32 $0xffff, v5, v6;
	_ =	sdelay $0xc  }
0x88: {  	v5, v6, _ =	vpop (xrf1)  }
0x89: {  	v7, v63, _ =	vpop (xrf1)  }
0x8a: {  	v7 =	vperm.xlane v7, v4  }
0x8b: {  	v8 =	vperm.xlane v63, v4  }
0x8c: {  	vm1 =	vge.f32 v5, v7  }
0x8d: {  	v5 =	vsel vm1, v5, v7;
	v6 =	vsel vm1, v6, v8  }
0x8e: {  	(xrf1) =	vsort.dscd.msk.f32 $0xffff, v5, v6;
	_ =	sdelay $0xd  }
0x8f: {  	v5, v6, _ =	vpop (xrf1)  }
0x90: {  	v7 =	vnsel vm0, $0x0, v5  }
0x91: {  	(xrf2) =	vadd.scan.msk.f32 $0xffff, v7;
	_ =	sdelay $0x9  }
0x92: {  	v7, _, _ =	vpop (xrf2)  }
0x93: {  	v7 =	vbroadcast v7, $0xF;
	_ =	sdelay $0x1  }
0x94: {  	(erf) = vrcp.f32 v7;
	_ =	sdelay $0x6  }
0x95: {  	p0 =	sne.s32 s12, $0x7FC0  }
.Ltmp0:
0x96: {  	_ = 	snop;
	(pc) =	sbr.rel @p0 .LBB2_2-.Ltmp0, $4  }
0x97: {  	v7 =	vpop (erf)  }
0x98: {  	v5 =	vmul.f32 v7, v5  }
0x99: {  	[tilespmem:s14+$0x8000] =	vst v6  }
0x9a: {  	s12 =	sadd.s32 $0x100, s12;
	s13 =	sadd.s32 $0x100, s13;
	[tilespmem:s14+$0xA000] =	vst v5  }
0x9b: {  	[hbm4b:s4+s2] =	stream.linear.scatter [tilespmem:s8], [sflag:$0x2], $0x2000, $0x38;
	[tilespmem:$0xC000] =	vst v63  }
0x9c: {  	s11 =	sadd.s32 $0x1, s11;
	_ =	swait.ge [sflag:s9], $0x2000  }
0x9d: {  	p0 =	sne.s32 s11, s6;
	[sflag:s9] =	ssyncset.done $0x0  }
.Ltmp1:
0x9e: {  	[sflag:s9] =	ssyncadd.s32 $0xFFFFE000;
	(pc) =	sbr.rel @p0 .LBB2_1-.Ltmp1, $4  }
0x9f: {  	[hbm4b:s5+s2] =	stream.linear.scatter [tilespmem:s10], [sflag:$0x2], $0x2000, $0x38;
	[tilespmem:$0xC000] =	vst v63  }
0xa0: {  	_ =	swait.ge [sflag:s9], $0x2000  }
0xa1: {  	[sflag:s9] =	ssyncset.done $0x0  }
0xa2: {  	[sflag:s9] =	ssyncadd.s32 $0xFFFFE000  }
0xa3: {  	_ =	sfence.sel $0x180000  }
0xa4: {  	[bflag:$0x0] =	sbarrier.arrive $0xFFFF  }
0xa5: {  	p0 =	sne.s32 s1, $0x0;
	_ =	strace $0x9000004A  }
0xa6: {  	s0 =	sadd.s32 @!p0 $0x100000, s0;
	[bflag:$0x2] =	sbarrier.arrive $0xFFFF  }
0xa7: {  	[sflag:s0] =	ssyncadd.tile.s32 @!p0 $0x1;
	_ =	shalt  }
.Lfunc_end2:
_tile_overlayer_lowered:
.L_overlay_start_2:
0xa8: {  	(tag) =	ssettag $0x2  }
0xa9: {  	s0 =	rddreg [dreg:$0x0];
	s2 =	stileid.u32  }
0xaa: {  	s1 =	rddreg [dreg:$0x1];
	p0 =	sne.s32 s2, $0x0  }
0xab: {  	s3 =	rddreg [dreg:$0x2];
	[bflag:$0x3] =	sbarrier.arrive $0xFFFF;
	s2 =	simm.s32 @!p0 $0x1C02  }
0xac: {  	[timem:s3], [sflag:s2] =	dma.local @!p0 [hbm:s0], s1  }
0xad: {  	s0 =	simm.s32 @!p0 $0x2  }
0xae: {  	_ =	swait.ge @!p0 [sflag:s0], s1  }
0xaf: {  	s1 =	ssub.s32 @!p0 $0x0, s1;
	[sflag:s0] =	ssyncset.done @!p0 $0x0  }
0xb0: {  	[sflag:s0] =	ssyncadd.s32 @!p0 s1  }
0xb1: {  	[bflag:$0x3] =	sbarrier.arrive $0xFFFF  }
0xb2: {  	_ =	shalt  }

</sc_bundles>
